<compile_context>
chip_gen: v7x
topology: tpu7x:2x2x1
jax: 0.10.2.dev20260603
libtpu: 0.0.44.dev20260713+nightly
codegen_flags: <defaults>
</compile_context>

<pallas_src>
import functools

import jax
import jax.numpy as jnp
from jax import lax
from jax.experimental import pallas as pl
from jax.experimental.pallas import tpu as pltpu
import jax.experimental.pallas.tpu_sc as plsc

S, D, H, E, FF = 2048, 1024, 4, 8, 4096
DH = D // H
TM = 256
MAX_TILES = S // TM + E - 1
MPAD = MAX_TILES * TM
FFB = 1024
NF = FF // FFB
NQ = 4
BQ = S // NQ

NC, NS = 2, 16
NW = NC * NS
TW = S // NW


def _qkv_body(x_ref, w_ref, b_ref, o_ref):
    o_ref[...] = lax.dot_general(
        x_ref[...], w_ref[...], (((1,), (1,)), ((), ())),
        preferred_element_type=jnp.float32) + b_ref[...]


def _qkv_proj(x2d, Wqkv, bqkv):
    return pl.pallas_call(
        _qkv_body,
        grid=(3,),
        in_specs=[
            pl.BlockSpec((S, D), lambda j: (0, 0)),
            pl.BlockSpec((D, D), lambda j: (j, 0)),
            pl.BlockSpec((1, D), lambda j: (0, j)),
        ],
        out_specs=pl.BlockSpec((S, D), lambda j: (0, j)),
        out_shape=jax.ShapeDtypeStruct((S, 3 * D), jnp.float32),
    )(x2d, Wqkv, bqkv.reshape(1, 3 * D))


def _attn_body(q_ref, k_ref, v_ref, o_ref):
    s = lax.dot_general(q_ref[...], k_ref[...], (((1,), (1,)), ((), ())),
                        preferred_element_type=jnp.float32)
    s = s * (1.0 / (DH ** 0.5))
    m = jnp.max(s, axis=-1, keepdims=True)
    p = jnp.exp(s - m)
    p = p / jnp.sum(p, axis=-1, keepdims=True)
    o_ref[...] = jnp.dot(p, v_ref[...], preferred_element_type=jnp.float32)


def _attention(qkv):
    return pl.pallas_call(
        _attn_body,
        grid=(H, NQ),
        in_specs=[
            pl.BlockSpec((BQ, DH), lambda h, q: (q, h)),
            pl.BlockSpec((S, DH), lambda h, q: (0, H + h)),
            pl.BlockSpec((S, DH), lambda h, q: (0, 2 * H + h)),
        ],
        out_specs=pl.BlockSpec((BQ, DH), lambda h, q: (q, h)),
        out_shape=jax.ShapeDtypeStruct((S, D), jnp.float32),
    )(qkv, qkv, qkv)


def _ln(s, g, b):
    mu = jnp.mean(s, axis=-1, keepdims=True)
    c = s - mu
    var = jnp.mean(c * c, axis=-1, keepdims=True)
    return c * lax.rsqrt(var + 1e-5) * g + b


def _post_attn_body(a_ref, wo_ref, bo_ref, x_ref, g1_ref, b1_ref, wg_ref,
                    t_ref, i_ref, oh_ref):
    proj = lax.dot_general(a_ref[...], wo_ref[...], (((1,), (1,)), ((), ())),
                           preferred_element_type=jnp.float32) + bo_ref[...]
    t = _ln(x_ref[...] + proj, g1_ref[...], b1_ref[...])
    t_ref[...] = t
    logits = jnp.dot(t, wg_ref[...], preferred_element_type=jnp.float32)
    m = logits[:, 0:1]
    mi = jnp.zeros_like(m, dtype=jnp.int32)
    for e in range(1, E):
        le = logits[:, e:e + 1]
        c = le > m
        m = jnp.where(c, le, m)
        mi = jnp.where(c, e, mi)
    i_ref[...] = mi.reshape(1, 1, TM)
    oh_ref[...] = (mi == jax.lax.broadcasted_iota(jnp.int32, (TM, E), 1)
                   ).astype(jnp.float32)


def _post_attn(attn, Wo, bo, x2d, g1, be1, Wg):
    return pl.pallas_call(
        _post_attn_body,
        grid=(S // TM,),
        in_specs=[
            pl.BlockSpec((TM, D), lambda i: (i, 0)),
            pl.BlockSpec((D, D), lambda i: (0, 0)),
            pl.BlockSpec((1, D), lambda i: (0, 0)),
            pl.BlockSpec((TM, D), lambda i: (i, 0)),
            pl.BlockSpec((1, D), lambda i: (0, 0)),
            pl.BlockSpec((1, D), lambda i: (0, 0)),
            pl.BlockSpec((D, E), lambda i: (0, 0)),
        ],
        out_specs=[
            pl.BlockSpec((TM, D), lambda i: (i, 0)),
            pl.BlockSpec((1, 1, TM), lambda i: (i, 0, 0)),
            pl.BlockSpec((TM, E), lambda i: (i, 0)),
        ],
        out_shape=[
            jax.ShapeDtypeStruct((S, D), jnp.float32),
            jax.ShapeDtypeStruct((S // TM, 1, TM), jnp.int32),
            jax.ShapeDtypeStruct((S, E), jnp.float32),
        ],
    )(attn, Wo, bo.reshape(1, D), x2d, g1.reshape(1, D), be1.reshape(1, D), Wg)


def _rank_body(oh_ref, d_ref, meta_ref):
    i = pl.program_id(0)
    oh = oh_ref[...]
    sizes = jnp.sum(oh, axis=0, keepdims=True)
    nt = jnp.ceil(sizes * (1.0 / TM))
    padded = nt * TM
    ps_parts = []
    run = jnp.zeros((1, 1), jnp.float32)
    rm_parts = []
    rmax = jnp.zeros((1, 1), jnp.float32)
    for e in range(E):
        ps_parts.append(run)
        run = run + padded[:, e:e + 1]
        ne_e = jnp.minimum(sizes[:, e:e + 1], 1.0)
        rmax = jnp.maximum(rmax, ne_e * e)
        rm_parts.append(rmax)
    ps = jnp.concatenate(ps_parts, axis=1)
    rm = jnp.concatenate(rm_parts, axis=1)
    ne = jnp.minimum(sizes, 1.0)

    rows = (i * TM + jax.lax.broadcasted_iota(jnp.int32, (TM, S), 0))
    cols = jax.lax.broadcasted_iota(jnp.int32, (TM, S), 1)
    tri = (cols < rows).astype(jnp.float32)
    rank = jnp.dot(tri, oh, preferred_element_type=jnp.float32)

    blk = oh_ref[pl.ds(i * TM, TM), :]
    dest = jnp.sum(blk * (ps + rank), axis=1)
    d_ref[...] = dest.astype(jnp.int32).reshape(1, 1, TM)

    @pl.when(i == 0)
    def _():
        meta_ref[...] = jnp.concatenate([rm, ps, nt, ne], axis=1
                                        ).astype(jnp.int32)


def _rank(oh):
    return pl.pallas_call(
        _rank_body,
        grid=(S // TM,),
        in_specs=[pl.BlockSpec((S, E), lambda i: (0, 0))],
        out_specs=[
            pl.BlockSpec((1, 1, TM), lambda i: (i, 0, 0)),
            pl.BlockSpec((1, 4 * E), lambda i: (0, 0)),
        ],
        out_shape=[
            jax.ShapeDtypeStruct((S // TM, 1, TM), jnp.int32),
            jax.ShapeDtypeStruct((1, 4 * E), jnp.int32),
        ],
    )(oh)


def _scatter_body(dest_hbm, t_hbm, xs_hbm, destv, rows, sem):
    wid = lax.axis_index("s") * NC + lax.axis_index("c")
    pltpu.sync_copy(dest_hbm.at[pl.ds(wid * TW, TW)], destv)
    pltpu.sync_copy(t_hbm.at[pl.ds(wid * TW, TW), :], rows)
    pltpu.async_copy(rows, xs_hbm.at[destv], sem).wait()


def _scatter(dest, t):
    mesh = plsc.VectorSubcoreMesh(core_axis_name="c", subcore_axis_name="s")
    f = pl.kernel(
        _scatter_body,
        out_type=jax.ShapeDtypeStruct((MPAD, D), jnp.float32),
        mesh=mesh,
        scratch_types=[
            pltpu.VMEM((TW,), jnp.int32),
            pltpu.VMEM((TW, D), jnp.float32),
            pltpu.SemaphoreType.DMA,
        ],
    )
    return f(dest, t)


_SQRT_HALF = 0.7071067811865476


def _gelu(h):
    return 0.5 * h * (1.0 + lax.erf(h * _SQRT_HALF))


def _ffn_body(rm_ref, ps_ref, nt_ref, ne_ref,
              x_ref, w1_ref, b1_ref, w2_ref, b2_ref, g2_ref, be2_ref, y_ref):
    e = pl.program_id(0)
    f = pl.program_id(1)
    nt_e = nt_ref[e]
    row0 = ps_ref[e]
    w1 = w1_ref[0]
    w2 = w2_ref[0]
    b1r = b1_ref[0]
    b2r = b2_ref[0]

    w1b = w1.astype(jnp.bfloat16)
    w2b = w2.astype(jnp.bfloat16)

    def tile(i, last):
        r = pl.multiple_of(row0 + i * TM, TM)
        xt = x_ref[pl.ds(r, TM), :]
        h = _gelu(jnp.dot(xt.astype(jnp.bfloat16), w1b,
                          preferred_element_type=jnp.float32) + b1r)
        part = jnp.dot(h.astype(jnp.bfloat16), w2b,
                       preferred_element_type=jnp.float32)
        acc = jnp.where(f == 0, b2r + part, y_ref[pl.ds(r, TM), :] + part)
        if last:
            y_ref[pl.ds(r, TM), :] = _ln(xt + acc, g2_ref[...], be2_ref[...])
        else:
            y_ref[pl.ds(r, TM), :] = acc

    @pl.when(f < NF - 1)
    def _():
        lax.fori_loop(0, nt_e, lambda i, c: (tile(i, False), c)[1], 0)

    @pl.when(f == NF - 1)
    def _():
        lax.fori_loop(0, nt_e, lambda i, c: (tile(i, True), c)[1], 0)


def _ffn(rm, ps, nt, ne, xs, W1, b1, W2, b2, g2, be2):
    def w_f(e, f, rm_ref, ps_ref, nt_ref, ne_ref):
        sp = jnp.where(e % 2 == 0, f, NF - 1 - f)
        sp0 = jnp.where(e % 2 == 0, 0, NF - 1)
        return jnp.where(ne_ref[e] == 1, sp, sp0)

    grid_spec = pltpu.PrefetchScalarGridSpec(
        num_scalar_prefetch=4,
        grid=(E, NF),
        in_specs=[
            pl.BlockSpec((MPAD, D), lambda e, f, rm, ps, nt, ne: (0, 0)),
            pl.BlockSpec((1, D, FFB),
                         lambda e, f, rm, ps, nt, ne:
                         (rm[e], 0, w_f(e, f, rm, ps, nt, ne))),
            pl.BlockSpec((1, 1, FFB),
                         lambda e, f, rm, ps, nt, ne:
                         (rm[e], 0, w_f(e, f, rm, ps, nt, ne))),
            pl.BlockSpec((1, FFB, D),
                         lambda e, f, rm, ps, nt, ne:
                         (rm[e], w_f(e, f, rm, ps, nt, ne), 0)),
            pl.BlockSpec((1, 1, D), lambda e, f, rm, ps, nt, ne: (rm[e], 0, 0)),
            pl.BlockSpec((1, D), lambda e, f, rm, ps, nt, ne: (0, 0)),
            pl.BlockSpec((1, D), lambda e, f, rm, ps, nt, ne: (0, 0)),
        ],
        out_specs=pl.BlockSpec((MPAD, D), lambda e, f, rm, ps, nt, ne: (0, 0)),
    )
    return pl.pallas_call(
        _ffn_body,
        grid_spec=grid_spec,
        out_shape=jax.ShapeDtypeStruct((MPAD, D), jnp.float32),
        compiler_params=pltpu.CompilerParams(
            vmem_limit_bytes=100 * 1024 * 1024),
    )(rm, ps, nt, ne, xs, W1, b1.reshape(E, 1, FF), W2, b2.reshape(E, 1, D),
      g2.reshape(1, D), be2.reshape(1, D))


def _unsort_body(dest_hbm, src_hbm, out_hbm, destv, rows, sem):
    wid = lax.axis_index("s") * NC + lax.axis_index("c")
    pltpu.sync_copy(dest_hbm.at[pl.ds(wid * TW, TW)], destv)
    pltpu.async_copy(src_hbm.at[destv], rows, sem).wait()
    pltpu.sync_copy(rows, out_hbm.at[pl.ds(wid * TW, TW), :])


def _unsort(dest, ys):
    mesh = plsc.VectorSubcoreMesh(core_axis_name="c", subcore_axis_name="s")
    f = pl.kernel(
        _unsort_body,
        out_type=jax.ShapeDtypeStruct((S, D), jnp.float32),
        mesh=mesh,
        scratch_types=[
            pltpu.VMEM((TW,), jnp.int32),
            pltpu.VMEM((TW, D), jnp.float32),
            pltpu.SemaphoreType.DMA,
        ],
    )
    return f(dest, ys)


def kernel(x, Wqkv, bqkv, Wo, bo, g1, be1, g2, be2, Wg, W1, b1, W2, b2):
    x2d = x.reshape(S, D)
    qkv = _qkv_proj(x2d, Wqkv, bqkv)
    attn = _attention(qkv)
    t, idx3, oh = _post_attn(attn, Wo, bo, x2d, g1, be1, Wg)

    dest3, meta = _rank(oh)
    dest = dest3.reshape(S)
    xs = _scatter(dest, t)
    rm, ps, nt, ne = (meta[0, 0:E], meta[0, E:2 * E], meta[0, 2 * E:3 * E],
                      meta[0, 3 * E:4 * E])

    ys = _ffn(rm, ps, nt, ne, xs, W1, b1, W2, b2, g2, be2)
    out2 = _unsort(dest, ys)
    return out2.reshape(S, 1, D)

# --- scband reference (transcript-rebuilt; emitter-appended) ---
"""Pipeline reference for scband-switch-transformer-encoder-layer-80814104642411 (READ-ONLY COPY).

The authoritative reference and input builder live on the scoring server;
editing this copy changes nothing except your own understanding.
"""

import jax, jax.numpy as jnp
import numpy as np

S, B, D, H, E, FF = 2048, 1, 1024, 4, 8, 4096
DH = D // H


def layer_norm(x, g, b):
    m = jnp.mean(x, axis=-1, keepdims=True)
    v = jnp.var(x, axis=-1, keepdims=True)
    return (x - m) / jnp.sqrt(v + 1e-5) * g + b


def self_attention(x, Wqkv, bqkv, Wo, bo):
    Sq, Bq, Dq = x.shape
    qkv = x @ Wqkv.T + bqkv
    q, k, v = jnp.split(qkv, 3, axis=-1)

    def heads(t):
        return t.reshape(Sq, Bq, H, DH).transpose(1, 2, 0, 3)

    q, k, v = heads(q), heads(k), heads(v)
    scores = (q @ k.transpose(0, 1, 3, 2)) / jnp.sqrt(jnp.asarray(DH, jnp.float32))
    attn = jax.nn.softmax(scores, axis=-1)
    out = (attn @ v).transpose(2, 0, 1, 3).reshape(Sq, Bq, Dq)
    return out @ Wo.T + bo


def moe(t, Wg, W1, b1, W2, b2):
    # FMoE NaiveGate with top_k=1: softmax over the single top-1 logit yields gate weight 1.0
    logits = t @ Wg
    idx = jnp.argmax(logits, axis=-1)
    onehot = jax.nn.one_hot(idx, E, dtype=t.dtype)
    out = jnp.zeros_like(t)
    for e in range(E):
        h = jax.nn.gelu(t @ W1[e] + b1[e], approximate=False)
        y = h @ W2[e] + b2[e]
        out = out + y * onehot[:, e:e + 1]
    return out


def setup_inputs(seed: int = 0):
    key = jax.random.key(seed)
    ks = jax.random.split(key, 8)
    s = 0.02
    return {
        "x": jax.random.normal(ks[0], (S, B, D), dtype=jnp.float32),
        "Wqkv": jax.random.normal(ks[1], (3 * D, D), dtype=jnp.float32) * s,
        "bqkv": jnp.zeros((3 * D,), jnp.float32),
        "Wo": jax.random.normal(ks[2], (D, D), dtype=jnp.float32) * s,
        "bo": jnp.zeros((D,), jnp.float32),
        "g1": jnp.ones((D,), jnp.float32),
        "be1": jnp.zeros((D,), jnp.float32),
        "g2": jnp.ones((D,), jnp.float32),
        "be2": jnp.zeros((D,), jnp.float32),
        "Wg": jax.random.normal(ks[3], (D, E), dtype=jnp.float32) * s,
        "W1": jax.random.normal(ks[4], (E, D, FF), dtype=jnp.float32) * s,
        "b1": jnp.zeros((E, FF), jnp.float32),
        "W2": jax.random.normal(ks[5], (E, FF, D), dtype=jnp.float32) * s,
        "b2": jnp.zeros((E, D), jnp.float32),
    }


def reference(x, Wqkv, bqkv, Wo, bo, g1, be1, g2, be2, Wg, W1, b1, W2, b2):
    # eval mode: dropout is identity
    x = layer_norm(x + self_attention(x, Wqkv, bqkv, Wo, bo), g1, be1)
    t = x.reshape(-1, D)
    m = moe(t, Wg, W1, b1, W2, b2).reshape(x.shape)
    x = layer_norm(x + m, g2, be2)
    return x

if __name__ == "__main__":
    import jax
    _d = setup_inputs()
    print(jax.jit(kernel)(*tuple(_d.values())))

</pallas_src>

<mosaic_0001>
#map = affine_map<(d0, d1) -> (0)>
#map1 = affine_map<(d0, d1) -> (0, 0)>
module attributes {stable_mosaic.version = 14 : i64} {
  func.func @_scatter_body(%arg0: i32, %arg1: i32, %arg2: memref<2048xi32, #tpu.memory_space<hbm>>, %arg3: memref<2048x1024xf32, #tpu.memory_space<hbm>>, %arg4: memref<3840x1024xf32, #tpu.memory_space<hbm>>, %arg5: memref<64xi32, #tpu.memory_space<vmem>>, %arg6: memref<64x1024xf32, #tpu.memory_space<vmem>>, %arg7: memref<!tpu.dma_semaphore, #tpu.memory_space<semaphore_mem>>) attributes {dimension_semantics = [#tpu.dimension_semantics<core_parallel>, #tpu.dimension_semantics<subcore_parallel>], iteration_bounds = array<i64: 2, 16>, scalar_prefetch = 0 : i64, scratch_operands = 3 : i64, tpu.core_type = #tpu.core_type<sc_vector_subcore>, window_params = [{transform_indices = #map}, {transform_indices = #map1}, {transform_indices = #map1}]} {
    %mul3A = arith.constant 2 : i32
    %mul3A_0 = arith.muli %arg1, %mul3A : i32
    %add3A = arith.addi %mul3A_0, %arg0 : i32
    %mul3A_1 = arith.constant 64 : i32
    %mul3A_2 = arith.muli %add3A, %mul3A_1 : i32
    "tpu.region"() ({
      %run_scoped3A = tpu.sem_alloc : memref<!tpu.dma_semaphore, #tpu.memory_space<semaphore_mem>>
      %dma_start3A_9 = tpu.memref_slice %arg2[%mul3A_2] : memref<2048xi32, #tpu.memory_space<hbm>> -> memref<64xi32, #tpu.memory_space<hbm>>
      %dma_start3A_10 = tpu.memref_slice %arg2[%mul3A_2] : memref<2048xi32, #tpu.memory_space<hbm>> -> memref<64xi32, #tpu.memory_space<hbm>>
      tpu.enqueue_dma source(%dma_start3A_10 : memref<64xi32, #tpu.memory_space<hbm>>) target(%arg5 : memref<64xi32, #tpu.memory_space<vmem>>) target_semaphore(%run_scoped3A : memref<!tpu.dma_semaphore, #tpu.memory_space<semaphore_mem>>)
      %dma_wait3A_11 = tpu.memref_slice %arg2[%mul3A_2] : memref<2048xi32, #tpu.memory_space<hbm>> -> memref<64xi32, #tpu.memory_space<hbm>>
      %dma_wait3A_12 = tpu.memref_slice %arg2[%mul3A_2] : memref<2048xi32, #tpu.memory_space<hbm>> -> memref<64xi32, #tpu.memory_space<hbm>>
      tpu.wait_dma2 semaphore(%run_scoped3A : memref<!tpu.dma_semaphore, #tpu.memory_space<semaphore_mem>>) src(%dma_wait3A_12 : memref<64xi32, #tpu.memory_space<hbm>>) dst(%arg5 : memref<64xi32, #tpu.memory_space<vmem>>)
      tpu.yield
    }) : () -> ()
    %mul3A_3 = arith.constant 64 : i32
    %mul3A_4 = arith.muli %add3A, %mul3A_3 : i32
    "tpu.region"() ({
      %run_scoped3A = tpu.sem_alloc : memref<!tpu.dma_semaphore, #tpu.memory_space<semaphore_mem>>
      %dma_start3A_9 = arith.constant 0 : i32
      %dma_start3A_10 = tpu.memref_slice %arg3[%mul3A_4, %dma_start3A_9] : memref<2048x1024xf32, #tpu.memory_space<hbm>> -> memref<64x1024xf32, #tpu.memory_space<hbm>>
      %dma_start3A_11 = arith.constant 0 : i32
      %dma_start3A_12 = tpu.memref_slice %arg3[%mul3A_4, %dma_start3A_11] : memref<2048x1024xf32, #tpu.memory_space<hbm>> -> memref<64x1024xf32, #tpu.memory_space<hbm>>
      tpu.enqueue_dma source(%dma_start3A_12 : memref<64x1024xf32, #tpu.memory_space<hbm>>) target(%arg6 : memref<64x1024xf32, #tpu.memory_space<vmem>>) target_semaphore(%run_scoped3A : memref<!tpu.dma_semaphore, #tpu.memory_space<semaphore_mem>>)
      %dma_wait3A_13 = arith.constant 0 : i32
      %dma_wait3A_14 = tpu.memref_slice %arg3[%mul3A_4, %dma_wait3A_13] : memref<2048x1024xf32, #tpu.memory_space<hbm>> -> memref<64x1024xf32, #tpu.memory_space<hbm>>
      %dma_wait3A_15 = arith.constant 0 : i32
      %dma_wait3A_16 = tpu.memref_slice %arg3[%mul3A_4, %dma_wait3A_15] : memref<2048x1024xf32, #tpu.memory_space<hbm>> -> memref<64x1024xf32, #tpu.memory_space<hbm>>
      tpu.wait_dma2 semaphore(%run_scoped3A : memref<!tpu.dma_semaphore, #tpu.memory_space<semaphore_mem>>) src(%dma_wait3A_16 : memref<64x1024xf32, #tpu.memory_space<hbm>>) dst(%arg6 : memref<64x1024xf32, #tpu.memory_space<vmem>>)
      tpu.yield
    }) : () -> ()
    %dma_start3A = arith.constant 0 : i32
    %dma_start3A_5 = arith.constant 0 : i32
    %dma_start3A_6 = tpu.memref_slice %arg4[%dma_start3A, %dma_start3A_5] : memref<3840x1024xf32, #tpu.memory_space<hbm>> -> memref<3840x1024xf32, #tpu.memory_space<hbm>>
    tpu.enqueue_indirect_dma source(%arg6 : memref<64x1024xf32, #tpu.memory_space<vmem>>) target(%dma_start3A_6 : memref<3840x1024xf32, #tpu.memory_space<hbm>>) offsets(%arg5 : memref<64xi32, #tpu.memory_space<vmem>>) semaphore(%arg7 : memref<!tpu.dma_semaphore, #tpu.memory_space<semaphore_mem>>)
    %dma_wait3A = arith.constant 0 : i32
    %dma_wait3A_7 = arith.constant 0 : i32
    %dma_wait3A_8 = tpu.memref_slice %arg4[%dma_wait3A, %dma_wait3A_7] : memref<3840x1024xf32, #tpu.memory_space<hbm>> -> memref<3840x1024xf32, #tpu.memory_space<hbm>>
    tpu.wait_indirect_dma semaphore(%arg7 : memref<!tpu.dma_semaphore, #tpu.memory_space<semaphore_mem>>) src(%arg6 : memref<64x1024xf32, #tpu.memory_space<vmem>>) dst(%dma_wait3A_8 : memref<3840x1024xf32, #tpu.memory_space<hbm>>)
    return
  }
}

#map = affine_map<(d0, d1) -> (0)>
#map1 = affine_map<(d0, d1) -> (0, 0)>
module attributes {stable_mosaic.version = 14 : i64} {
  func.func @_unsort_body(%arg0: i32, %arg1: i32, %arg2: memref<2048xi32, #tpu.memory_space<hbm>>, %arg3: memref<3840x1024xf32, #tpu.memory_space<hbm>>, %arg4: memref<2048x1024xf32, #tpu.memory_space<hbm>>, %arg5: memref<64xi32, #tpu.memory_space<vmem>>, %arg6: memref<64x1024xf32, #tpu.memory_space<vmem>>, %arg7: memref<!tpu.dma_semaphore, #tpu.memory_space<semaphore_mem>>) attributes {dimension_semantics = [#tpu.dimension_semantics<core_parallel>, #tpu.dimension_semantics<subcore_parallel>], iteration_bounds = array<i64: 2, 16>, scalar_prefetch = 0 : i64, scratch_operands = 3 : i64, tpu.core_type = #tpu.core_type<sc_vector_subcore>, window_params = [{transform_indices = #map}, {transform_indices = #map1}, {transform_indices = #map1}]} {
    %mul3A = arith.constant 2 : i32
    %mul3A_0 = arith.muli %arg1, %mul3A : i32
    %add3A = arith.addi %mul3A_0, %arg0 : i32
    %mul3A_1 = arith.constant 64 : i32
    %mul3A_2 = arith.muli %add3A, %mul3A_1 : i32
    "tpu.region"() ({
      %run_scoped3A = tpu.sem_alloc : memref<!tpu.dma_semaphore, #tpu.memory_space<semaphore_mem>>
      %dma_start3A_9 = tpu.memref_slice %arg2[%mul3A_2] : memref<2048xi32, #tpu.memory_space<hbm>> -> memref<64xi32, #tpu.memory_space<hbm>>
      %dma_start3A_10 = tpu.memref_slice %arg2[%mul3A_2] : memref<2048xi32, #tpu.memory_space<hbm>> -> memref<64xi32, #tpu.memory_space<hbm>>
      tpu.enqueue_dma source(%dma_start3A_10 : memref<64xi32, #tpu.memory_space<hbm>>) target(%arg5 : memref<64xi32, #tpu.memory_space<vmem>>) target_semaphore(%run_scoped3A : memref<!tpu.dma_semaphore, #tpu.memory_space<semaphore_mem>>)
      %dma_wait3A_11 = tpu.memref_slice %arg2[%mul3A_2] : memref<2048xi32, #tpu.memory_space<hbm>> -> memref<64xi32, #tpu.memory_space<hbm>>
      %dma_wait3A_12 = tpu.memref_slice %arg2[%mul3A_2] : memref<2048xi32, #tpu.memory_space<hbm>> -> memref<64xi32, #tpu.memory_space<hbm>>
      tpu.wait_dma2 semaphore(%run_scoped3A : memref<!tpu.dma_semaphore, #tpu.memory_space<semaphore_mem>>) src(%dma_wait3A_12 : memref<64xi32, #tpu.memory_space<hbm>>) dst(%arg5 : memref<64xi32, #tpu.memory_space<vmem>>)
      tpu.yield
    }) : () -> ()
    %dma_start3A = arith.constant 0 : i32
    %dma_start3A_3 = arith.constant 0 : i32
    %dma_start3A_4 = tpu.memref_slice %arg3[%dma_start3A, %dma_start3A_3] : memref<3840x1024xf32, #tpu.memory_space<hbm>> -> memref<3840x1024xf32, #tpu.memory_space<hbm>>
    tpu.enqueue_indirect_dma source(%dma_start3A_4 : memref<3840x1024xf32, #tpu.memory_space<hbm>>) target(%arg6 : memref<64x1024xf32, #tpu.memory_space<vmem>>) offsets(%arg5 : memref<64xi32, #tpu.memory_space<vmem>>) semaphore(%arg7 : memref<!tpu.dma_semaphore, #tpu.memory_space<semaphore_mem>>)
    %dma_wait3A = arith.constant 0 : i32
    %dma_wait3A_5 = arith.constant 0 : i32
    %dma_wait3A_6 = tpu.memref_slice %arg3[%dma_wait3A, %dma_wait3A_5] : memref<3840x1024xf32, #tpu.memory_space<hbm>> -> memref<3840x1024xf32, #tpu.memory_space<hbm>>
    tpu.wait_indirect_dma semaphore(%arg7 : memref<!tpu.dma_semaphore, #tpu.memory_space<semaphore_mem>>) src(%dma_wait3A_6 : memref<3840x1024xf32, #tpu.memory_space<hbm>>) dst(%arg6 : memref<64x1024xf32, #tpu.memory_space<vmem>>)
    %mul3A_7 = arith.constant 64 : i32
    %mul3A_8 = arith.muli %add3A, %mul3A_7 : i32
    "tpu.region"() ({
      %run_scoped3A = tpu.sem_alloc : memref<!tpu.dma_semaphore, #tpu.memory_space<semaphore_mem>>
      %dma_start3A_9 = arith.constant 0 : i32
      %dma_start3A_10 = tpu.memref_slice %arg4[%mul3A_8, %dma_start3A_9] : memref<2048x1024xf32, #tpu.memory_space<hbm>> -> memref<64x1024xf32, #tpu.memory_space<hbm>>
      %dma_start3A_11 = arith.constant 0 : i32
      %dma_start3A_12 = tpu.memref_slice %arg4[%mul3A_8, %dma_start3A_11] : memref<2048x1024xf32, #tpu.memory_space<hbm>> -> memref<64x1024xf32, #tpu.memory_space<hbm>>
      tpu.enqueue_dma source(%arg6 : memref<64x1024xf32, #tpu.memory_space<vmem>>) target(%dma_start3A_12 : memref<64x1024xf32, #tpu.memory_space<hbm>>) target_semaphore(%run_scoped3A : memref<!tpu.dma_semaphore, #tpu.memory_space<semaphore_mem>>)
      %dma_wait3A_13 = arith.constant 0 : i32
      %dma_wait3A_14 = tpu.memref_slice %arg4[%mul3A_8, %dma_wait3A_13] : memref<2048x1024xf32, #tpu.memory_space<hbm>> -> memref<64x1024xf32, #tpu.memory_space<hbm>>
      %dma_wait3A_15 = arith.constant 0 : i32
      %dma_wait3A_16 = tpu.memref_slice %arg4[%mul3A_8, %dma_wait3A_15] : memref<2048x1024xf32, #tpu.memory_space<hbm>> -> memref<64x1024xf32, #tpu.memory_space<hbm>>
      tpu.wait_dma2 semaphore(%run_scoped3A : memref<!tpu.dma_semaphore, #tpu.memory_space<semaphore_mem>>) src(%arg6 : memref<64x1024xf32, #tpu.memory_space<vmem>>) dst(%dma_wait3A_16 : memref<64x1024xf32, #tpu.memory_space<hbm>>)
      tpu.yield
    }) : () -> ()
    return
  }
}

module attributes {stable_mosaic.version = 14 : i64} {
  func.func @_qkv_body(%arg0: i32, %arg1: memref<2048x1024xf32, #tpu.memory_space<vmem>>, %arg2: memref<1024x1024xf32, #tpu.memory_space<vmem>>, %arg3: memref<1x1024xf32, #tpu.memory_space<vmem>>, %arg4: memref<2048x1024xf32, #tpu.memory_space<vmem>>) attributes {dimension_semantics = [#tpu.dimension_semantics<arbitrary>], iteration_bounds = array<i64: 3>, scalar_prefetch = 0 : i64, scratch_operands = 0 : i64, tpu.core_type = #tpu.core_type<tc>, window_params = [{pipeline_mode = #tpu.pipeline_mode<synchronous>, transform_indices = @transform_0, window_bounds = array<i64: 2048, 1024>}, {transform_indices = @transform_1, window_bounds = array<i64: 1024, 1024>}, {transform_indices = @transform_2, window_bounds = array<i64: 1, 1024>}, {transform_indices = @transform_3, window_bounds = array<i64: 2048, 1024>}]} {
    %get3A = arith.constant 0 : index
    %get3A_0 = arith.constant 0 : index
    %get3A_1 = vector.load %arg1[%get3A, %get3A_0] : memref<2048x1024xf32, #tpu.memory_space<vmem>>, vector<2048x1024xf32>
    %get3A_2 = arith.constant 0 : index
    %get3A_3 = arith.constant 0 : index
    %get3A_4 = vector.load %arg2[%get3A_2, %get3A_3] : memref<1024x1024xf32, #tpu.memory_space<vmem>>, vector<1024x1024xf32>
    %dot_general3A = arith.constant dense<0.000000e+00> : vector<2048x1024xf32>
    %dot_general3A_5 = tpu.matmul %get3A_1, %get3A_4, %dot_general3A {dimension_numbers = #tpu.dot_dimension_numbers<[1], [1], [0], [0], [0, 0, 1, 0], [], []>, transpose_lhs_hint = false} : vector<2048x1024xf32>, vector<1024x1024xf32>, vector<2048x1024xf32> -> vector<2048x1024xf32>
    %get3A_6 = arith.constant 0 : index
    %get3A_7 = arith.constant 0 : index
    %get3A_8 = vector.load %arg3[%get3A_6, %get3A_7] : memref<1x1024xf32, #tpu.memory_space<vmem>>, vector<1x1024xf32>
    %add3A = vector.broadcast %get3A_8 : vector<1x1024xf32> to vector<2048x1024xf32>
    %add3A_9 = arith.addf %dot_general3A_5, %add3A : vector<2048x1024xf32>
    %swap3A = arith.constant 0 : index
    %swap3A_10 = arith.constant 0 : index
    %swap3A_11 = vector.load %arg4[%swap3A, %swap3A_10] : memref<2048x1024xf32, #tpu.memory_space<vmem>>, vector<2048x1024xf32>
    tpu.vector_store %arg4[%swap3A, %swap3A_10], %add3A_9 {strides = array<i32>} : memref<2048x1024xf32, #tpu.memory_space<vmem>>, vector<2048x1024xf32>,
    return
  }
  func.func @transform_0(%arg0: i32) -> (i32, i32) {
    %c0_i32 = arith.constant 0 : i32
    %c0_i32_0 = arith.constant 0 : i32
    %c0_i32_1 = arith.constant 0 : i32
    return %c0_i32, %c0_i32_0 : i32, i32
  }
  func.func @transform_1(%arg0: i32) -> (i32, i32) {
    %c0_i32 = arith.constant 0 : i32
    %c0_i32_0 = arith.constant 0 : i32
    return %arg0, %c0_i32 : i32, i32
  }
  func.func @transform_2(%arg0: i32) -> (i32, i32) {
    %c0_i32 = arith.constant 0 : i32
    %c0_i32_0 = arith.constant 0 : i32
    return %c0_i32, %arg0 : i32, i32
  }
  func.func @transform_3(%arg0: i32) -> (i32, i32) {
    %c0_i32 = arith.constant 0 : i32
    %c0_i32_0 = arith.constant 0 : i32
    return %c0_i32, %arg0 : i32, i32
  }
}

module attributes {stable_mosaic.version = 14 : i64} {
  func.func @_attn_body(%arg0: i32, %arg1: i32, %arg2: memref<512x256xf32, #tpu.memory_space<vmem>>, %arg3: memref<2048x256xf32, #tpu.memory_space<vmem>>, %arg4: memref<2048x256xf32, #tpu.memory_space<vmem>>, %arg5: memref<512x256xf32, #tpu.memory_space<vmem>>) attributes {dimension_semantics = [#tpu.dimension_semantics<arbitrary>, #tpu.dimension_semantics<arbitrary>], iteration_bounds = array<i64: 4, 4>, scalar_prefetch = 0 : i64, scratch_operands = 0 : i64, tpu.core_type = #tpu.core_type<tc>, window_params = [{transform_indices = @transform_0, window_bounds = array<i64: 512, 256>}, {transform_indices = @transform_1, window_bounds = array<i64: 2048, 256>}, {transform_indices = @transform_2, window_bounds = array<i64: 2048, 256>}, {transform_indices = @transform_3, window_bounds = array<i64: 512, 256>}]} {
    %get3A = arith.constant 0 : index
    %get3A_0 = arith.constant 0 : index
    %get3A_1 = vector.load %arg2[%get3A, %get3A_0] : memref<512x256xf32, #tpu.memory_space<vmem>>, vector<512x256xf32>
    %get3A_2 = arith.constant 0 : index
    %get3A_3 = arith.constant 0 : index
    %get3A_4 = vector.load %arg3[%get3A_2, %get3A_3] : memref<2048x256xf32, #tpu.memory_space<vmem>>, vector<2048x256xf32>
    %dot_general3A = arith.constant dense<0.000000e+00> : vector<512x2048xf32>
    %dot_general3A_5 = tpu.matmul %get3A_1, %get3A_4, %dot_general3A {dimension_numbers = #tpu.dot_dimension_numbers<[1], [1], [0], [0], [0, 0, 1, 0], [], []>, transpose_lhs_hint = false} : vector<512x256xf32>, vector<2048x256xf32>, vector<512x2048xf32> -> vector<512x2048xf32>
    %mul3A = arith.constant 6.250000e-02 : f32
    %mul3A_6 = vector.broadcast %mul3A : f32 to vector<512x2048xf32>
    %mul3A_7 = arith.mulf %dot_general3A_5, %mul3A_6 : vector<512x2048xf32>
    %reduce_max3A = arith.constant dense<0xFF800000> : vector<512xf32>
    %reduce_max3A_8 = vector.multi_reduction <maximumf>, %mul3A_7, %reduce_max3A [1] : vector<512x2048xf32> to vector<512xf32>
    %broadcast_in_dim3A = vector.shape_cast %reduce_max3A_8 : vector<512xf32> to vector<512x1xf32>
    %sub3A = vector.broadcast %broadcast_in_dim3A : vector<512x1xf32> to vector<512x2048xf32>
    %sub3A_9 = arith.subf %mul3A_7, %sub3A : vector<512x2048xf32>
    %exp3A = math.exp %sub3A_9 : vector<512x2048xf32>
    %reduce_sum3A = arith.constant dense<0.000000e+00> : vector<512xf32>
    %reduce_sum3A_10 = vector.multi_reduction <add>, %exp3A, %reduce_sum3A [1] : vector<512x2048xf32> to vector<512xf32>
    %broadcast_in_dim3A_11 = vector.shape_cast %reduce_sum3A_10 : vector<512xf32> to vector<512x1xf32>
    %div3A = vector.broadcast %broadcast_in_dim3A_11 : vector<512x1xf32> to vector<512x2048xf32>
    %div3A_12 = arith.divf %exp3A, %div3A : vector<512x2048xf32>
    %get3A_13 = arith.constant 0 : index
    %get3A_14 = arith.constant 0 : index
    %get3A_15 = vector.load %arg4[%get3A_13, %get3A_14] : memref<2048x256xf32, #tpu.memory_space<vmem>>, vector<2048x256xf32>
    %dot_general3A_16 = arith.constant dense<0.000000e+00> : vector<512x256xf32>
    %dot_general3A_17 = tpu.matmul %div3A_12, %get3A_15, %dot_general3A_16 {dimension_numbers = #tpu.dot_dimension_numbers<[1], [0], [0], [1], [0, 0, 1, 1], [], []>, transpose_lhs_hint = false} : vector<512x2048xf32>, vector<2048x256xf32>, vector<512x256xf32> -> vector<512x256xf32>
    %swap3A = arith.constant 0 : index
    %swap3A_18 = arith.constant 0 : index
    %swap3A_19 = vector.load %arg5[%swap3A, %swap3A_18] : memref<512x256xf32, #tpu.memory_space<vmem>>, vector<512x256xf32>
    tpu.vector_store %arg5[%swap3A, %swap3A_18], %dot_general3A_17 {strides = array<i32>} : memref<512x256xf32, #tpu.memory_space<vmem>>, vector<512x256xf32>,
    return
  }
  func.func @transform_0(%arg0: i32, %arg1: i32) -> (i32, i32) {
    %c0_i32 = arith.constant 0 : i32
    return %arg1, %arg0 : i32, i32
  }
  func.func @transform_1(%arg0: i32, %arg1: i32) -> (i32, i32) {
    %add3A = arith.constant 4 : i32
    %add3A_0 = arith.addi %add3A, %arg0 : i32
    %c0_i32 = arith.constant 0 : i32
    %c0_i32_1 = arith.constant 0 : i32
    return %c0_i32, %add3A_0 : i32, i32
  }
  func.func @transform_2(%arg0: i32, %arg1: i32) -> (i32, i32) {
    %add3A = arith.constant 8 : i32
    %add3A_0 = arith.addi %add3A, %arg0 : i32
    %c0_i32 = arith.constant 0 : i32
    %c0_i32_1 = arith.constant 0 : i32
    return %c0_i32, %add3A_0 : i32, i32
  }
  func.func @transform_3(%arg0: i32, %arg1: i32) -> (i32, i32) {
    %c0_i32 = arith.constant 0 : i32
    return %arg1, %arg0 : i32, i32
  }
}

module attributes {stable_mosaic.version = 14 : i64} {
  func.func @_post_attn_body(%arg0: i32, %arg1: memref<256x1024xf32, #tpu.memory_space<vmem>>, %arg2: memref<1024x1024xf32, #tpu.memory_space<vmem>>, %arg3: memref<1x1024xf32, #tpu.memory_space<vmem>>, %arg4: memref<256x1024xf32, #tpu.memory_space<vmem>>, %arg5: memref<1x1024xf32, #tpu.memory_space<vmem>>, %arg6: memref<1x1024xf32, #tpu.memory_space<vmem>>, %arg7: memref<1024x8xf32, #tpu.memory_space<vmem>>, %arg8: memref<256x1024xf32, #tpu.memory_space<vmem>>, %arg9: memref<1x1x256xi32, #tpu.memory_space<vmem>>, %arg10: memref<256x8xf32, #tpu.memory_space<vmem>>) attributes {dimension_semantics = [#tpu.dimension_semantics<arbitrary>], iteration_bounds = array<i64: 8>, scalar_prefetch = 0 : i64, scratch_operands = 0 : i64, tpu.core_type = #tpu.core_type<tc>, window_params = [{transform_indices = @transform_0, window_bounds = array<i64: 256, 1024>}, {pipeline_mode = #tpu.pipeline_mode<synchronous>, transform_indices = @transform_1, window_bounds = array<i64: 1024, 1024>}, {pipeline_mode = #tpu.pipeline_mode<synchronous>, transform_indices = @transform_2, window_bounds = array<i64: 1, 1024>}, {transform_indices = @transform_3, window_bounds = array<i64: 256, 1024>}, {pipeline_mode = #tpu.pipeline_mode<synchronous>, transform_indices = @transform_4, window_bounds = array<i64: 1, 1024>}, {pipeline_mode = #tpu.pipeline_mode<synchronous>, transform_indices = @transform_5, window_bounds = array<i64: 1, 1024>}, {pipeline_mode = #tpu.pipeline_mode<synchronous>, transform_indices = @transform_6, window_bounds = array<i64: 1024, 8>}, {transform_indices = @transform_7, window_bounds = array<i64: 256, 1024>}, {transform_indices = @transform_8, window_bounds = array<i64: 1, 1, 256>}, {transform_indices = @transform_9, window_bounds = array<i64: 256, 8>}]} {
    %get3A = arith.constant 0 : index
    %get3A_0 = arith.constant 0 : index
    %get3A_1 = vector.load %arg1[%get3A, %get3A_0] : memref<256x1024xf32, #tpu.memory_space<vmem>>, vector<256x1024xf32>
    %get3A_2 = arith.constant 0 : index
    %get3A_3 = arith.constant 0 : index
    %get3A_4 = vector.load %arg2[%get3A_2, %get3A_3] : memref<1024x1024xf32, #tpu.memory_space<vmem>>, vector<1024x1024xf32>
    %dot_general3A = arith.constant dense<0.000000e+00> : vector<256x1024xf32>
    %dot_general3A_5 = tpu.matmul %get3A_1, %get3A_4, %dot_general3A {dimension_numbers = #tpu.dot_dimension_numbers<[1], [1], [0], [0], [0, 0, 1, 0], [], []>, transpose_lhs_hint = false} : vector<256x1024xf32>, vector<1024x1024xf32>, vector<256x1024xf32> -> vector<256x1024xf32>
    %get3A_6 = arith.constant 0 : index
    %get3A_7 = arith.constant 0 : index
    %get3A_8 = vector.load %arg3[%get3A_6, %get3A_7] : memref<1x1024xf32, #tpu.memory_space<vmem>>, vector<1x1024xf32>
    %add3A = vector.broadcast %get3A_8 : vector<1x1024xf32> to vector<256x1024xf32>
    %add3A_9 = arith.addf %dot_general3A_5, %add3A : vector<256x1024xf32>
    %get3A_10 = arith.constant 0 : index
    %get3A_11 = arith.constant 0 : index
    %get3A_12 = vector.load %arg4[%get3A_10, %get3A_11] : memref<256x1024xf32, #tpu.memory_space<vmem>>, vector<256x1024xf32>
    %add3A_13 = arith.addf %get3A_12, %add3A_9 : vector<256x1024xf32>
    %get3A_14 = arith.constant 0 : index
    %get3A_15 = arith.constant 0 : index
    %get3A_16 = vector.load %arg5[%get3A_14, %get3A_15] : memref<1x1024xf32, #tpu.memory_space<vmem>>, vector<1x1024xf32>
    %get3A_17 = arith.constant 0 : index
    %get3A_18 = arith.constant 0 : index
    %get3A_19 = vector.load %arg6[%get3A_17, %get3A_18] : memref<1x1024xf32, #tpu.memory_space<vmem>>, vector<1x1024xf32>
    %reduce_sum3A = arith.constant dense<0.000000e+00> : vector<256xf32>
    %reduce_sum3A_20 = vector.multi_reduction <add>, %add3A_13, %reduce_sum3A [1] : vector<256x1024xf32> to vector<256xf32>
    %broadcast_in_dim3A = vector.shape_cast %reduce_sum3A_20 : vector<256xf32> to vector<256x1xf32>
    %div3A = arith.constant 1.024000e+03 : f32
    %div3A_21 = vector.broadcast %div3A : f32 to vector<256x1xf32>
    %div3A_22 = arith.divf %broadcast_in_dim3A, %div3A_21 : vector<256x1xf32>
    %sub3A = vector.broadcast %div3A_22 : vector<256x1xf32> to vector<256x1024xf32>
    %sub3A_23 = arith.subf %add3A_13, %sub3A : vector<256x1024xf32>
    %mul3A = arith.mulf %sub3A_23, %sub3A_23 : vector<256x1024xf32>
    %reduce_sum3A_24 = arith.constant dense<0.000000e+00> : vector<256xf32>
    %reduce_sum3A_25 = vector.multi_reduction <add>, %mul3A, %reduce_sum3A_24 [1] : vector<256x1024xf32> to vector<256xf32>
    %broadcast_in_dim3A_26 = vector.shape_cast %reduce_sum3A_25 : vector<256xf32> to vector<256x1xf32>
    %div3A_27 = arith.constant 1.024000e+03 : f32
    %div3A_28 = vector.broadcast %div3A_27 : f32 to vector<256x1xf32>
    %div3A_29 = arith.divf %broadcast_in_dim3A_26, %div3A_28 : vector<256x1xf32>
    %add3A_30 = arith.constant 9.99999974E-6 : f32
    %add3A_31 = vector.broadcast %add3A_30 : f32 to vector<256x1xf32>
    %add3A_32 = arith.addf %div3A_29, %add3A_31 : vector<256x1xf32>
    %rsqrt3A = math.rsqrt %add3A_32 : vector<256x1xf32>
    %mul3A_33 = vector.broadcast %rsqrt3A : vector<256x1xf32> to vector<256x1024xf32>
    %mul3A_34 = arith.mulf %sub3A_23, %mul3A_33 : vector<256x1024xf32>
    %mul3A_35 = vector.broadcast %get3A_16 : vector<1x1024xf32> to vector<256x1024xf32>
    %mul3A_36 = arith.mulf %mul3A_34, %mul3A_35 : vector<256x1024xf32>
    %add3A_37 = vector.broadcast %get3A_19 : vector<1x1024xf32> to vector<256x1024xf32>
    %add3A_38 = arith.addf %mul3A_36, %add3A_37 : vector<256x1024xf32>
    %swap3A = arith.constant 0 : index
    %swap3A_39 = arith.constant 0 : index
    %swap3A_40 = vector.load %arg8[%swap3A, %swap3A_39] : memref<256x1024xf32, #tpu.memory_space<vmem>>, vector<256x1024xf32>
    tpu.vector_store %arg8[%swap3A, %swap3A_39], %add3A_38 {strides = array<i32>} : memref<256x1024xf32, #tpu.memory_space<vmem>>, vector<256x1024xf32>,
    %get3A_41 = arith.constant 0 : index
    %get3A_42 = arith.constant 0 : index
    %get3A_43 = vector.load %arg7[%get3A_41, %get3A_42] : memref<1024x8xf32, #tpu.memory_space<vmem>>, vector<1024x8xf32>
    %dot_general3A_44 = arith.constant dense<0.000000e+00> : vector<256x8xf32>
    %dot_general3A_45 = tpu.matmul %add3A_38, %get3A_43, %dot_general3A_44 {dimension_numbers = #tpu.dot_dimension_numbers<[1], [0], [0], [1], [0, 0, 1, 1], [], []>, transpose_lhs_hint = false} : vector<256x1024xf32>, vector<1024x8xf32>, vector<256x8xf32> -> vector<256x8xf32>
    %slice3A = vector.extract_strided_slice %dot_general3A_45 {offsets = [0, 0], sizes = [256, 1], strides = [1, 1]} : vector<256x8xf32> to vector<256x1xf32>
    %broadcast_in_dim3A_46 = arith.constant 0 : i32
    %broadcast_in_dim3A_47 = vector.broadcast %broadcast_in_dim3A_46 : i32 to vector<256x1xi32>
    %slice3A_48 = vector.extract_strided_slice %dot_general3A_45 {offsets = [0, 1], sizes = [256, 1], strides = [1, 1]} : vector<256x8xf32> to vector<256x1xf32>
    %gt3A = arith.cmpf ogt, %slice3A_48, %slice3A : vector<256x1xf32>
    %select_n3A = arith.select %gt3A, %slice3A_48, %slice3A : vector<256x1xi1>, vector<256x1xf32>
    %jit3A = arith.constant 1 : i32
    %broadcast_in_dim3A_49 = vector.broadcast %jit3A : i32 to vector<256x1xi32>
    %select_n3A_50 = arith.select %gt3A, %broadcast_in_dim3A_49, %broadcast_in_dim3A_47 : vector<256x1xi1>, vector<256x1xi32>
    %slice3A_51 = vector.extract_strided_slice %dot_general3A_45 {offsets = [0, 2], sizes = [256, 1], strides = [1, 1]} : vector<256x8xf32> to vector<256x1xf32>
    %gt3A_52 = arith.cmpf ogt, %slice3A_51, %select_n3A : vector<256x1xf32>
    %select_n3A_53 = arith.select %gt3A_52, %slice3A_51, %select_n3A : vector<256x1xi1>, vector<256x1xf32>
    %jit3A_54 = arith.constant 2 : i32
    %broadcast_in_dim3A_55 = vector.broadcast %jit3A_54 : i32 to vector<256x1xi32>
    %select_n3A_56 = arith.select %gt3A_52, %broadcast_in_dim3A_55, %select_n3A_50 : vector<256x1xi1>, vector<256x1xi32>
    %slice3A_57 = vector.extract_strided_slice %dot_general3A_45 {offsets = [0, 3], sizes = [256, 1], strides = [1, 1]} : vector<256x8xf32> to vector<256x1xf32>
    %gt3A_58 = arith.cmpf ogt, %slice3A_57, %select_n3A_53 : vector<256x1xf32>
    %select_n3A_59 = arith.select %gt3A_58, %slice3A_57, %select_n3A_53 : vector<256x1xi1>, vector<256x1xf32>
    %jit3A_60 = arith.constant 3 : i32
    %broadcast_in_dim3A_61 = vector.broadcast %jit3A_60 : i32 to vector<256x1xi32>
    %select_n3A_62 = arith.select %gt3A_58, %broadcast_in_dim3A_61, %select_n3A_56 : vector<256x1xi1>, vector<256x1xi32>
    %slice3A_63 = vector.extract_strided_slice %dot_general3A_45 {offsets = [0, 4], sizes = [256, 1], strides = [1, 1]} : vector<256x8xf32> to vector<256x1xf32>
    %gt3A_64 = arith.cmpf ogt, %slice3A_63, %select_n3A_59 : vector<256x1xf32>
    %select_n3A_65 = arith.select %gt3A_64, %slice3A_63, %select_n3A_59 : vector<256x1xi1>, vector<256x1xf32>
    %jit3A_66 = arith.constant 4 : i32
    %broadcast_in_dim3A_67 = vector.broadcast %jit3A_66 : i32 to vector<256x1xi32>
    %select_n3A_68 = arith.select %gt3A_64, %broadcast_in_dim3A_67, %select_n3A_62 : vector<256x1xi1>, vector<256x1xi32>
    %slice3A_69 = vector.extract_strided_slice %dot_general3A_45 {offsets = [0, 5], sizes = [256, 1], strides = [1, 1]} : vector<256x8xf32> to vector<256x1xf32>
    %gt3A_70 = arith.cmpf ogt, %slice3A_69, %select_n3A_65 : vector<256x1xf32>
    %select_n3A_71 = arith.select %gt3A_70, %slice3A_69, %select_n3A_65 : vector<256x1xi1>, vector<256x1xf32>
    %jit3A_72 = arith.constant 5 : i32
    %broadcast_in_dim3A_73 = vector.broadcast %jit3A_72 : i32 to vector<256x1xi32>
    %select_n3A_74 = arith.select %gt3A_70, %broadcast_in_dim3A_73, %select_n3A_68 : vector<256x1xi1>, vector<256x1xi32>
    %slice3A_75 = vector.extract_strided_slice %dot_general3A_45 {offsets = [0, 6], sizes = [256, 1], strides = [1, 1]} : vector<256x8xf32> to vector<256x1xf32>
    %gt3A_76 = arith.cmpf ogt, %slice3A_75, %select_n3A_71 : vector<256x1xf32>
    %select_n3A_77 = arith.select %gt3A_76, %slice3A_75, %select_n3A_71 : vector<256x1xi1>, vector<256x1xf32>
    %jit3A_78 = arith.constant 6 : i32
    %broadcast_in_dim3A_79 = vector.broadcast %jit3A_78 : i32 to vector<256x1xi32>
    %select_n3A_80 = arith.select %gt3A_76, %broadcast_in_dim3A_79, %select_n3A_74 : vector<256x1xi1>, vector<256x1xi32>
    %slice3A_81 = vector.extract_strided_slice %dot_general3A_45 {offsets = [0, 7], sizes = [256, 1], strides = [1, 1]} : vector<256x8xf32> to vector<256x1xf32>
    %gt3A_82 = arith.cmpf ogt, %slice3A_81, %select_n3A_77 : vector<256x1xf32>
    %jit3A_83 = arith.constant 7 : i32
    %broadcast_in_dim3A_84 = vector.broadcast %jit3A_83 : i32 to vector<256x1xi32>
    %select_n3A_85 = arith.select %gt3A_82, %broadcast_in_dim3A_84, %select_n3A_80 : vector<256x1xi1>, vector<256x1xi32>
    %reshape3A = vector.shape_cast %select_n3A_85 : vector<256x1xi32> to vector<1x1x256xi32>
    %swap3A_86 = arith.constant 0 : index
    %swap3A_87 = arith.constant 0 : index
    %swap3A_88 = arith.constant 0 : index
    %swap3A_89 = vector.load %arg9[%swap3A_86, %swap3A_87, %swap3A_88] : memref<1x1x256xi32, #tpu.memory_space<vmem>>, vector<1x1x256xi32>
    tpu.vector_store %arg9[%swap3A_86, %swap3A_87, %swap3A_88], %reshape3A {strides = array<i32>} : memref<1x1x256xi32, #tpu.memory_space<vmem>>, vector<1x1x256xi32>,
    %iota3A = tpu.iota {dimensions = array<i32: 1>} : vector<256x8xi32>
    %eq3A = vector.broadcast %select_n3A_85 : vector<256x1xi32> to vector<256x8xi32>
    %eq3A_90 = arith.cmpi eq, %eq3A, %iota3A : vector<256x8xi32>
    %convert_element_type3A = arith.extui %eq3A_90 : vector<256x8xi1> to vector<256x8xi32>
    %convert_element_type3A_91 = arith.sitofp %convert_element_type3A : vector<256x8xi32> to vector<256x8xf32>
    %swap3A_92 = arith.constant 0 : index
    %swap3A_93 = arith.constant 0 : index
    %swap3A_94 = vector.load %arg10[%swap3A_92, %swap3A_93] : memref<256x8xf32, #tpu.memory_space<vmem>>, vector<256x8xf32>
    tpu.vector_store %arg10[%swap3A_92, %swap3A_93], %convert_element_type3A_91 {strides = array<i32>} : memref<256x8xf32, #tpu.memory_space<vmem>>, vector<256x8xf32>,
    return
  }
  func.func @transform_0(%arg0: i32) -> (i32, i32) {
    %c0_i32 = arith.constant 0 : i32
    %c0_i32_0 = arith.constant 0 : i32
    return %arg0, %c0_i32 : i32, i32
  }
  func.func @transform_1(%arg0: i32) -> (i32, i32) {
    %c0_i32 = arith.constant 0 : i32
    %c0_i32_0 = arith.constant 0 : i32
    %c0_i32_1 = arith.constant 0 : i32
    return %c0_i32, %c0_i32_0 : i32, i32
  }
  func.func @transform_2(%arg0: i32) -> (i32, i32) {
    %c0_i32 = arith.constant 0 : i32
    %c0_i32_0 = arith.constant 0 : i32
    %c0_i32_1 = arith.constant 0 : i32
    return %c0_i32, %c0_i32_0 : i32, i32
  }
  func.func @transform_3(%arg0: i32) -> (i32, i32) {
    %c0_i32 = arith.constant 0 : i32
    %c0_i32_0 = arith.constant 0 : i32
    return %arg0, %c0_i32 : i32, i32
  }
  func.func @transform_4(%arg0: i32) -> (i32, i32) {
    %c0_i32 = arith.constant 0 : i32
    %c0_i32_0 = arith.constant 0 : i32
    %c0_i32_1 = arith.constant 0 : i32
    return %c0_i32, %c0_i32_0 : i32, i32
  }
  func.func @transform_5(%arg0: i32) -> (i32, i32) {
    %c0_i32 = arith.constant 0 : i32
    %c0_i32_0 = arith.constant 0 : i32
    %c0_i32_1 = arith.constant 0 : i32
    return %c0_i32, %c0_i32_0 : i32, i32
  }
  func.func @transform_6(%arg0: i32) -> (i32, i32) {
    %c0_i32 = arith.constant 0 : i32
    %c0_i32_0 = arith.constant 0 : i32
    %c0_i32_1 = arith.constant 0 : i32
    return %c0_i32, %c0_i32_0 : i32, i32
  }
  func.func @transform_7(%arg0: i32) -> (i32, i32) {
    %c0_i32 = arith.constant 0 : i32
    %c0_i32_0 = arith.constant 0 : i32
    return %arg0, %c0_i32 : i32, i32
  }
  func.func @transform_8(%arg0: i32) -> (i32, i32, i32) {
    %c0_i32 = arith.constant 0 : i32
    %c0_i32_0 = arith.constant 0 : i32
    %c0_i32_1 = arith.constant 0 : i32
    return %arg0, %c0_i32, %c0_i32_0 : i32, i32, i32
  }
  func.func @transform_9(%arg0: i32) -> (i32, i32) {
    %c0_i32 = arith.constant 0 : i32
    %c0_i32_0 = arith.constant 0 : i32
    return %arg0, %c0_i32 : i32, i32
  }
}

module attributes {stable_mosaic.version = 14 : i64} {
  func.func @_rank_body(%arg0: i32, %arg1: memref<2048x8xf32, #tpu.memory_space<vmem>>, %arg2: memref<1x1x256xi32, #tpu.memory_space<vmem>>, %arg3: memref<1x32xi32, #tpu.memory_space<vmem>>) attributes {dimension_semantics = [#tpu.dimension_semantics<arbitrary>], iteration_bounds = array<i64: 8>, scalar_prefetch = 0 : i64, scratch_operands = 0 : i64, tpu.core_type = #tpu.core_type<tc>, window_params = [{pipeline_mode = #tpu.pipeline_mode<synchronous>, transform_indices = @transform_0, window_bounds = array<i64: 2048, 8>}, {transform_indices = @transform_1, window_bounds = array<i64: 1, 1, 256>}, {pipeline_mode = #tpu.pipeline_mode<synchronous>, transform_indices = @transform_2, window_bounds = array<i64: 1, 32>}]} {
    %get3A = arith.constant 0 : index
    %get3A_0 = arith.constant 0 : index
    %get3A_1 = vector.load %arg1[%get3A, %get3A_0] : memref<2048x8xf32, #tpu.memory_space<vmem>>, vector<2048x8xf32>
    %reduce_sum3A = arith.constant dense<0.000000e+00> : vector<8xf32>
    %reduce_sum3A_2 = vector.multi_reduction <add>, %get3A_1, %reduce_sum3A [0] : vector<2048x8xf32> to vector<8xf32>
    %broadcast_in_dim3A = vector.shape_cast %reduce_sum3A_2 : vector<8xf32> to vector<1x8xf32>
    %mul3A = arith.constant 3.906250e-03 : f32
    %mul3A_3 = vector.broadcast %mul3A : f32 to vector<1x8xf32>
    %mul3A_4 = arith.mulf %broadcast_in_dim3A, %mul3A_3 : vector<1x8xf32>
    %ceil3A = math.ceil %mul3A_4 : vector<1x8xf32>
    %mul3A_5 = arith.constant 2.560000e+02 : f32
    %mul3A_6 = vector.broadcast %mul3A_5 : f32 to vector<1x8xf32>
    %mul3A_7 = arith.mulf %ceil3A, %mul3A_6 : vector<1x8xf32>
    %broadcast_in_dim3A_8 = arith.constant 0.000000e+00 : f32
    %broadcast_in_dim3A_9 = vector.broadcast %broadcast_in_dim3A_8 : f32 to vector<1x1xf32>
    %broadcast_in_dim3A_10 = arith.constant 0.000000e+00 : f32
    %broadcast_in_dim3A_11 = vector.broadcast %broadcast_in_dim3A_10 : f32 to vector<1x1xf32>
    %slice3A = vector.extract_strided_slice %mul3A_7 {offsets = [0, 0], sizes = [1, 1], strides = [1, 1]} : vector<1x8xf32> to vector<1x1xf32>
    %add3A = arith.addf %broadcast_in_dim3A_9, %slice3A : vector<1x1xf32>
    %slice3A_12 = vector.extract_strided_slice %broadcast_in_dim3A {offsets = [0, 0], sizes = [1, 1], strides = [1, 1]} : vector<1x8xf32> to vector<1x1xf32>
    %min3A = arith.constant 1.000000e+00 : f32
    %min3A_13 = vector.broadcast %min3A : f32 to vector<1x1xf32>
    %min3A_14 = arith.minimumf %slice3A_12, %min3A_13 : vector<1x1xf32>
    %mul3A_15 = arith.constant 0.000000e+00 : f32
    %mul3A_16 = vector.broadcast %mul3A_15 : f32 to vector<1x1xf32>
    %mul3A_17 = arith.mulf %min3A_14, %mul3A_16 : vector<1x1xf32>
    %max3A = arith.maximumf %broadcast_in_dim3A_11, %mul3A_17 : vector<1x1xf32>
    %slice3A_18 = vector.extract_strided_slice %mul3A_7 {offsets = [0, 1], sizes = [1, 1], strides = [1, 1]} : vector<1x8xf32> to vector<1x1xf32>
    %add3A_19 = arith.addf %add3A, %slice3A_18 : vector<1x1xf32>
    %slice3A_20 = vector.extract_strided_slice %broadcast_in_dim3A {offsets = [0, 1], sizes = [1, 1], strides = [1, 1]} : vector<1x8xf32> to vector<1x1xf32>
    %min3A_21 = arith.constant 1.000000e+00 : f32
    %min3A_22 = vector.broadcast %min3A_21 : f32 to vector<1x1xf32>
    %min3A_23 = arith.minimumf %slice3A_20, %min3A_22 : vector<1x1xf32>
    %mul3A_24 = arith.constant 1.000000e+00 : f32
    %mul3A_25 = vector.broadcast %mul3A_24 : f32 to vector<1x1xf32>
    %mul3A_26 = arith.mulf %min3A_23, %mul3A_25 : vector<1x1xf32>
    %max3A_27 = arith.maximumf %max3A, %mul3A_26 : vector<1x1xf32>
    %slice3A_28 = vector.extract_strided_slice %mul3A_7 {offsets = [0, 2], sizes = [1, 1], strides = [1, 1]} : vector<1x8xf32> to vector<1x1xf32>
    %add3A_29 = arith.addf %add3A_19, %slice3A_28 : vector<1x1xf32>
    %slice3A_30 = vector.extract_strided_slice %broadcast_in_dim3A {offsets = [0, 2], sizes = [1, 1], strides = [1, 1]} : vector<1x8xf32> to vector<1x1xf32>
    %min3A_31 = arith.constant 1.000000e+00 : f32
    %min3A_32 = vector.broadcast %min3A_31 : f32 to vector<1x1xf32>
    %min3A_33 = arith.minimumf %slice3A_30, %min3A_32 : vector<1x1xf32>
    %mul3A_34 = arith.constant 2.000000e+00 : f32
    %mul3A_35 = vector.broadcast %mul3A_34 : f32 to vector<1x1xf32>
    %mul3A_36 = arith.mulf %min3A_33, %mul3A_35 : vector<1x1xf32>
    %max3A_37 = arith.maximumf %max3A_27, %mul3A_36 : vector<1x1xf32>
    %slice3A_38 = vector.extract_strided_slice %mul3A_7 {offsets = [0, 3], sizes = [1, 1], strides = [1, 1]} : vector<1x8xf32> to vector<1x1xf32>
    %add3A_39 = arith.addf %add3A_29, %slice3A_38 : vector<1x1xf32>
    %slice3A_40 = vector.extract_strided_slice %broadcast_in_dim3A {offsets = [0, 3], sizes = [1, 1], strides = [1, 1]} : vector<1x8xf32> to vector<1x1xf32>
    %min3A_41 = arith.constant 1.000000e+00 : f32
    %min3A_42 = vector.broadcast %min3A_41 : f32 to vector<1x1xf32>
    %min3A_43 = arith.minimumf %slice3A_40, %min3A_42 : vector<1x1xf32>
    %mul3A_44 = arith.constant 3.000000e+00 : f32
    %mul3A_45 = vector.broadcast %mul3A_44 : f32 to vector<1x1xf32>
    %mul3A_46 = arith.mulf %min3A_43, %mul3A_45 : vector<1x1xf32>
    %max3A_47 = arith.maximumf %max3A_37, %mul3A_46 : vector<1x1xf32>
    %slice3A_48 = vector.extract_strided_slice %mul3A_7 {offsets = [0, 4], sizes = [1, 1], strides = [1, 1]} : vector<1x8xf32> to vector<1x1xf32>
    %add3A_49 = arith.addf %add3A_39, %slice3A_48 : vector<1x1xf32>
    %slice3A_50 = vector.extract_strided_slice %broadcast_in_dim3A {offsets = [0, 4], sizes = [1, 1], strides = [1, 1]} : vector<1x8xf32> to vector<1x1xf32>
    %min3A_51 = arith.constant 1.000000e+00 : f32
    %min3A_52 = vector.broadcast %min3A_51 : f32 to vector<1x1xf32>
    %min3A_53 = arith.minimumf %slice3A_50, %min3A_52 : vector<1x1xf32>
    %mul3A_54 = arith.constant 4.000000e+00 : f32
    %mul3A_55 = vector.broadcast %mul3A_54 : f32 to vector<1x1xf32>
    %mul3A_56 = arith.mulf %min3A_53, %mul3A_55 : vector<1x1xf32>
    %max3A_57 = arith.maximumf %max3A_47, %mul3A_56 : vector<1x1xf32>
    %slice3A_58 = vector.extract_strided_slice %mul3A_7 {offsets = [0, 5], sizes = [1, 1], strides = [1, 1]} : vector<1x8xf32> to vector<1x1xf32>
    %add3A_59 = arith.addf %add3A_49, %slice3A_58 : vector<1x1xf32>
    %slice3A_60 = vector.extract_strided_slice %broadcast_in_dim3A {offsets = [0, 5], sizes = [1, 1], strides = [1, 1]} : vector<1x8xf32> to vector<1x1xf32>
    %min3A_61 = arith.constant 1.000000e+00 : f32
    %min3A_62 = vector.broadcast %min3A_61 : f32 to vector<1x1xf32>
    %min3A_63 = arith.minimumf %slice3A_60, %min3A_62 : vector<1x1xf32>
    %mul3A_64 = arith.constant 5.000000e+00 : f32
    %mul3A_65 = vector.broadcast %mul3A_64 : f32 to vector<1x1xf32>
    %mul3A_66 = arith.mulf %min3A_63, %mul3A_65 : vector<1x1xf32>
    %max3A_67 = arith.maximumf %max3A_57, %mul3A_66 : vector<1x1xf32>
    %slice3A_68 = vector.extract_strided_slice %mul3A_7 {offsets = [0, 6], sizes = [1, 1], strides = [1, 1]} : vector<1x8xf32> to vector<1x1xf32>
    %add3A_69 = arith.addf %add3A_59, %slice3A_68 : vector<1x1xf32>
    %slice3A_70 = vector.extract_strided_slice %broadcast_in_dim3A {offsets = [0, 6], sizes = [1, 1], strides = [1, 1]} : vector<1x8xf32> to vector<1x1xf32>
    %min3A_71 = arith.constant 1.000000e+00 : f32
    %min3A_72 = vector.broadcast %min3A_71 : f32 to vector<1x1xf32>
    %min3A_73 = arith.minimumf %slice3A_70, %min3A_72 : vector<1x1xf32>
    %mul3A_74 = arith.constant 6.000000e+00 : f32
    %mul3A_75 = vector.broadcast %mul3A_74 : f32 to vector<1x1xf32>
    %mul3A_76 = arith.mulf %min3A_73, %mul3A_75 : vector<1x1xf32>
    %max3A_77 = arith.maximumf %max3A_67, %mul3A_76 : vector<1x1xf32>
    %slice3A_78 = vector.extract_strided_slice %broadcast_in_dim3A {offsets = [0, 7], sizes = [1, 1], strides = [1, 1]} : vector<1x8xf32> to vector<1x1xf32>
    %min3A_79 = arith.constant 1.000000e+00 : f32
    %min3A_80 = vector.broadcast %min3A_79 : f32 to vector<1x1xf32>
    %min3A_81 = arith.minimumf %slice3A_78, %min3A_80 : vector<1x1xf32>
    %mul3A_82 = arith.constant 7.000000e+00 : f32
    %mul3A_83 = vector.broadcast %mul3A_82 : f32 to vector<1x1xf32>
    %mul3A_84 = arith.mulf %min3A_81, %mul3A_83 : vector<1x1xf32>
    %max3A_85 = arith.maximumf %max3A_77, %mul3A_84 : vector<1x1xf32>
    %concatenate3A = tpu.concatenate %broadcast_in_dim3A_9, %add3A, %add3A_19, %add3A_29, %add3A_39, %add3A_49, %add3A_59, %add3A_69 in 1 : vector<1x1xf32>, vector<1x1xf32>, vector<1x1xf32>, vector<1x1xf32>, vector<1x1xf32>, vector<1x1xf32>, vector<1x1xf32>, vector<1x1xf32> -> vector<1x8xf32>
    %concatenate3A_86 = tpu.concatenate %max3A, %max3A_27, %max3A_37, %max3A_47, %max3A_57, %max3A_67, %max3A_77, %max3A_85 in 1 : vector<1x1xf32>, vector<1x1xf32>, vector<1x1xf32>, vector<1x1xf32>, vector<1x1xf32>, vector<1x1xf32>, vector<1x1xf32>, vector<1x1xf32> -> vector<1x8xf32>
    %min3A_87 = arith.constant 1.000000e+00 : f32
    %min3A_88 = vector.broadcast %min3A_87 : f32 to vector<1x8xf32>
    %min3A_89 = arith.minimumf %broadcast_in_dim3A, %min3A_88 : vector<1x8xf32>
    %mul3A_90 = arith.constant 256 : i32
    %mul3A_91 = arith.muli %arg0, %mul3A_90 : i32
    %iota3A = tpu.iota {dimensions = array<i32: 0>} : vector<256x2048xi32>
    %add3A_92 = vector.broadcast %mul3A_91 : i32 to vector<256x2048xi32>
    %add3A_93 = arith.addi %add3A_92, %iota3A : vector<256x2048xi32>
    %iota3A_94 = tpu.iota {dimensions = array<i32: 1>} : vector<256x2048xi32>
    %lt3A = arith.cmpi slt, %iota3A_94, %add3A_93 : vector<256x2048xi32>
    %convert_element_type3A = arith.extui %lt3A : vector<256x2048xi1> to vector<256x2048xi32>
    %convert_element_type3A_95 = arith.sitofp %convert_element_type3A : vector<256x2048xi32> to vector<256x2048xf32>
    %dot_general3A = arith.constant dense<0.000000e+00> : vector<256x8xf32>
    %dot_general3A_96 = tpu.matmul %convert_element_type3A_95, %get3A_1, %dot_general3A {dimension_numbers = #tpu.dot_dimension_numbers<[1], [0], [0], [1], [0, 0, 1, 1], [], []>, transpose_lhs_hint = false} : vector<256x2048xf32>, vector<2048x8xf32>, vector<256x8xf32> -> vector<256x8xf32>
    %mul3A_97 = arith.constant 256 : i32
    %mul3A_98 = arith.muli %arg0, %mul3A_97 : i32
    %get3A_99 = arith.index_cast %mul3A_98 : i32 to index
    %get3A_100 = arith.constant 0 : index
    %get3A_101 = vector.load %arg1[%get3A_99, %get3A_100] : memref<2048x8xf32, #tpu.memory_space<vmem>>, vector<256x8xf32>
    %add3A_102 = vector.broadcast %concatenate3A : vector<1x8xf32> to vector<256x8xf32>
    %add3A_103 = arith.addf %add3A_102, %dot_general3A_96 : vector<256x8xf32>
    %mul3A_104 = arith.mulf %get3A_101, %add3A_103 : vector<256x8xf32>
    %reduce_sum3A_105 = arith.constant dense<0.000000e+00> : vector<256xf32>
    %reduce_sum3A_106 = vector.multi_reduction <add>, %mul3A_104, %reduce_sum3A_105 [1] : vector<256x8xf32> to vector<256xf32>
    %convert_element_type3A_107 = arith.fptosi %reduce_sum3A_106 : vector<256xf32> to vector<256xi32>
    %reshape3A = vector.shape_cast %convert_element_type3A_107 : vector<256xi32> to vector<1x1x256xi32>
    %swap3A = arith.constant 0 : index
    %swap3A_108 = arith.constant 0 : index
    %swap3A_109 = arith.constant 0 : index
    %swap3A_110 = vector.load %arg2[%swap3A, %swap3A_108, %swap3A_109] : memref<1x1x256xi32, #tpu.memory_space<vmem>>, vector<1x1x256xi32>
    tpu.vector_store %arg2[%swap3A, %swap3A_108, %swap3A_109], %reshape3A {strides = array<i32>} : memref<1x1x256xi32, #tpu.memory_space<vmem>>, vector<1x1x256xi32>,
    %eq3A = arith.constant 0 : i32
    %eq3A_111 = arith.cmpi eq, %arg0, %eq3A : i32
    %convert_element_type3A_112 = arith.extui %eq3A_111 : i1 to i32
    %cond3A = arith.constant 0 : i32
    %cond3A_113 = arith.cmpi ne, %convert_element_type3A_112, %cond3A : i32
    scf.if %cond3A_113 {
      %concatenate3A_114 = tpu.concatenate %concatenate3A_86, %concatenate3A, %ceil3A, %min3A_89 in 1 : vector<1x8xf32>, vector<1x8xf32>, vector<1x8xf32>, vector<1x8xf32> -> vector<1x32xf32>
      %convert_element_type3A_115 = arith.fptosi %concatenate3A_114 : vector<1x32xf32> to vector<1x32xi32>
      %swap3A_116 = arith.constant 0 : index
      %swap3A_117 = arith.constant 0 : index
      %swap3A_118 = vector.load %arg3[%swap3A_116, %swap3A_117] : memref<1x32xi32, #tpu.memory_space<vmem>>, vector<1x32xi32>
      tpu.vector_store %arg3[%swap3A_116, %swap3A_117], %convert_element_type3A_115 {strides = array<i32>} : memref<1x32xi32, #tpu.memory_space<vmem>>, vector<1x32xi32>,
    } else {
    }
    return
  }
  func.func @transform_0(%arg0: i32) -> (i32, i32) {
    %c0_i32 = arith.constant 0 : i32
    %c0_i32_0 = arith.constant 0 : i32
    %c0_i32_1 = arith.constant 0 : i32
    return %c0_i32, %c0_i32_0 : i32, i32
  }
  func.func @transform_1(%arg0: i32) -> (i32, i32, i32) {
    %c0_i32 = arith.constant 0 : i32
    %c0_i32_0 = arith.constant 0 : i32
    %c0_i32_1 = arith.constant 0 : i32
    return %arg0, %c0_i32, %c0_i32_0 : i32, i32, i32
  }
  func.func @transform_2(%arg0: i32) -> (i32, i32) {
    %c0_i32 = arith.constant 0 : i32
    %c0_i32_0 = arith.constant 0 : i32
    %c0_i32_1 = arith.constant 0 : i32
    return %c0_i32, %c0_i32_0 : i32, i32
  }
}

module attributes {stable_mosaic.version = 14 : i64} {
  func.func @_ffn_body(%arg0: i32, %arg1: i32, %arg2: memref<8xi32, #tpu.memory_space<smem>>, %arg3: memref<8xi32, #tpu.memory_space<smem>>, %arg4: memref<8xi32, #tpu.memory_space<smem>>, %arg5: memref<8xi32, #tpu.memory_space<smem>>, %arg6: memref<3840x1024xf32, #tpu.memory_space<vmem>>, %arg7: memref<1x1024x1024xf32, #tpu.memory_space<vmem>>, %arg8: memref<1x1x1024xf32, #tpu.memory_space<vmem>>, %arg9: memref<1x1024x1024xf32, #tpu.memory_space<vmem>>, %arg10: memref<1x1x1024xf32, #tpu.memory_space<vmem>>, %arg11: memref<1x1024xf32, #tpu.memory_space<vmem>>, %arg12: memref<1x1024xf32, #tpu.memory_space<vmem>>, %arg13: memref<3840x1024xf32, #tpu.memory_space<vmem>>) attributes {dimension_semantics = [#tpu.dimension_semantics<arbitrary>, #tpu.dimension_semantics<arbitrary>], iteration_bounds = array<i64: 8, 4>, scalar_prefetch = 4 : i64, scratch_operands = 0 : i64, tpu.core_type = #tpu.core_type<tc>, window_params = [{pipeline_mode = #tpu.pipeline_mode<synchronous>, transform_indices = @transform_0, window_bounds = array<i64: 3840, 1024>}, {transform_indices = @transform_1, window_bounds = array<i64: 1, 1024, 1024>}, {transform_indices = @transform_2, window_bounds = array<i64: 1, 1, 1024>}, {transform_indices = @transform_3, window_bounds = array<i64: 1, 1024, 1024>}, {transform_indices = @transform_4, window_bounds = array<i64: 1, 1, 1024>}, {pipeline_mode = #tpu.pipeline_mode<synchronous>, transform_indices = @transform_5, window_bounds = array<i64: 1, 1024>}, {pipeline_mode = #tpu.pipeline_mode<synchronous>, transform_indices = @transform_6, window_bounds = array<i64: 1, 1024>}, {pipeline_mode = #tpu.pipeline_mode<synchronous>, transform_indices = @transform_7, window_bounds = array<i64: 3840, 1024>}]} {
    %get3A = arith.index_cast %arg0 : i32 to index
    %get3A_0 = memref.load %arg4[%get3A] : memref<8xi32, #tpu.memory_space<smem>>
    %get3A_1 = arith.index_cast %arg0 : i32 to index
    %get3A_2 = memref.load %arg3[%get3A_1] : memref<8xi32, #tpu.memory_space<smem>>
    %get3A_3 = arith.constant 0 : index
    %get3A_4 = arith.constant 0 : index
    %get3A_5 = arith.constant 0 : index
    %get3A_6 = vector.load %arg7[%get3A_3, %get3A_4, %get3A_5] : memref<1x1024x1024xf32, #tpu.memory_space<vmem>>, vector<1x1024x1024xf32>
    %get3A_7 = vector.shape_cast %get3A_6 : vector<1x1024x1024xf32> to vector<1024x1024xf32>
    %get3A_8 = arith.constant 0 : index
    %get3A_9 = arith.constant 0 : index
    %get3A_10 = arith.constant 0 : index
    %get3A_11 = vector.load %arg9[%get3A_8, %get3A_9, %get3A_10] : memref<1x1024x1024xf32, #tpu.memory_space<vmem>>, vector<1x1024x1024xf32>
    %get3A_12 = vector.shape_cast %get3A_11 : vector<1x1024x1024xf32> to vector<1024x1024xf32>
    %get3A_13 = arith.constant 0 : index
    %get3A_14 = arith.constant 0 : index
    %get3A_15 = arith.constant 0 : index
    %get3A_16 = vector.load %arg8[%get3A_13, %get3A_14, %get3A_15] : memref<1x1x1024xf32, #tpu.memory_space<vmem>>, vector<1x1x1024xf32>
    %get3A_17 = vector.shape_cast %get3A_16 : vector<1x1x1024xf32> to vector<1x1024xf32>
    %get3A_18 = arith.constant 0 : index
    %get3A_19 = arith.constant 0 : index
    %get3A_20 = arith.constant 0 : index
    %get3A_21 = vector.load %arg10[%get3A_18, %get3A_19, %get3A_20] : memref<1x1x1024xf32, #tpu.memory_space<vmem>>, vector<1x1x1024xf32>
    %get3A_22 = vector.shape_cast %get3A_21 : vector<1x1x1024xf32> to vector<1x1024xf32>
    %convert_element_type3A = arith.truncf %get3A_7 : vector<1024x1024xf32> to vector<1024x1024xbf16>
    %convert_element_type3A_23 = arith.truncf %get3A_12 : vector<1024x1024xf32> to vector<1024x1024xbf16>
    %lt3A = arith.constant 3 : i32
    %lt3A_24 = arith.cmpi slt, %arg1, %lt3A : i32
    %convert_element_type3A_25 = arith.extui %lt3A_24 : i1 to i32
    %cond3A = arith.constant 0 : i32
    %cond3A_26 = arith.cmpi ne, %convert_element_type3A_25, %cond3A : i32
    scf.if %cond3A_26 {
      %while3A = arith.constant 0 : i32
      %while3A_31 = arith.constant 0 : i32
      %while3A_32 = arith.subi %get3A_0, %while3A_31 : i32
      %while3A_33 = arith.addi %while3A_31, %while3A_32 : i32
      %while3A_34 = arith.constant 1 : i32
      %while3A_35 = arith.divsi %while3A_32, %while3A_34 : i32
      %while3A_36 = arith.muli %while3A_35, %while3A_34 : i32
      %while3A_37 = arith.addi %while3A_31, %while3A_36 : i32
      %while3A_38 = arith.constant 1 : i32
      scf.for %while3A_40 = %while3A_31 to %while3A_37 step %while3A_38  : i32 {
        %mul3A = arith.constant 256 : i32
        %mul3A_41 = arith.muli %while3A_40, %mul3A : i32
        %add3A = arith.addi %get3A_2, %mul3A_41 : i32
        %multiple_of3A = tpu.assume_multiple %add3A, 256 : i32
        %get3A_42 = arith.index_cast %multiple_of3A : i32 to index
        %get3A_43 = arith.constant 0 : index
        %get3A_44 = vector.load %arg6[%get3A_42, %get3A_43] : memref<3840x1024xf32, #tpu.memory_space<vmem>>, vector<256x1024xf32>
        %convert_element_type3A_45 = arith.truncf %get3A_44 : vector<256x1024xf32> to vector<256x1024xbf16>
        %dot_general3A = arith.constant dense<0.000000e+00> : vector<256x1024xf32>
        %dot_general3A_46 = tpu.matmul %convert_element_type3A_45, %convert_element_type3A, %dot_general3A {dimension_numbers = #tpu.dot_dimension_numbers<[1], [0], [0], [1], [0, 0, 1, 1], [], []>, transpose_lhs_hint = false} : vector<256x1024xbf16>, vector<1024x1024xbf16>, vector<256x1024xf32> -> vector<256x1024xf32>
        %add3A_47 = vector.broadcast %get3A_17 : vector<1x1024xf32> to vector<256x1024xf32>
        %add3A_48 = arith.addf %dot_general3A_46, %add3A_47 : vector<256x1024xf32>
        %mul3A_49 = arith.constant 5.000000e-01 : f32
        %mul3A_50 = vector.broadcast %mul3A_49 : f32 to vector<256x1024xf32>
        %mul3A_51 = arith.mulf %mul3A_50, %add3A_48 : vector<256x1024xf32>
        %mul3A_52 = arith.constant 0.707106769 : f32
        %mul3A_53 = vector.broadcast %mul3A_52 : f32 to vector<256x1024xf32>
        %mul3A_54 = arith.mulf %add3A_48, %mul3A_53 : vector<256x1024xf32>
        %erf3A = math.erf %mul3A_54 : vector<256x1024xf32>
        %add3A_55 = arith.constant 1.000000e+00 : f32
        %add3A_56 = vector.broadcast %add3A_55 : f32 to vector<256x1024xf32>
        %add3A_57 = arith.addf %add3A_56, %erf3A : vector<256x1024xf32>
        %mul3A_58 = arith.mulf %mul3A_51, %add3A_57 : vector<256x1024xf32>
        %convert_element_type3A_59 = arith.truncf %mul3A_58 : vector<256x1024xf32> to vector<256x1024xbf16>
        %dot_general3A_60 = arith.constant dense<0.000000e+00> : vector<256x1024xf32>
        %dot_general3A_61 = tpu.matmul %convert_element_type3A_59, %convert_element_type3A_23, %dot_general3A_60 {dimension_numbers = #tpu.dot_dimension_numbers<[1], [0], [0], [1], [0, 0, 1, 1], [], []>, transpose_lhs_hint = false} : vector<256x1024xbf16>, vector<1024x1024xbf16>, vector<256x1024xf32> -> vector<256x1024xf32>
        %eq3A_62 = arith.constant 0 : i32
        %eq3A_63 = arith.cmpi eq, %arg1, %eq3A_62 : i32
        %add3A_64 = vector.broadcast %get3A_22 : vector<1x1024xf32> to vector<256x1024xf32>
        %add3A_65 = arith.addf %add3A_64, %dot_general3A_61 : vector<256x1024xf32>
        %get3A_66 = arith.index_cast %multiple_of3A : i32 to index
        %get3A_67 = arith.constant 0 : index
        %get3A_68 = vector.load %arg13[%get3A_66, %get3A_67] : memref<3840x1024xf32, #tpu.memory_space<vmem>>, vector<256x1024xf32>
        %add3A_69 = arith.addf %get3A_68, %dot_general3A_61 : vector<256x1024xf32>
        %select_n3A = arith.select %eq3A_63, %add3A_65, %add3A_69 : vector<256x1024xf32>
        %swap3A = arith.index_cast %multiple_of3A : i32 to index
        %swap3A_70 = arith.constant 0 : index
        %swap3A_71 = vector.load %arg13[%swap3A, %swap3A_70] : memref<3840x1024xf32, #tpu.memory_space<vmem>>, vector<256x1024xf32>
        tpu.vector_store %arg13[%swap3A, %swap3A_70], %select_n3A {strides = array<i32>} : memref<3840x1024xf32, #tpu.memory_space<vmem>>, vector<256x1024xf32>,
      }
      %while3A_39 = arith.constant 1 : i32
      scf.for %while3A_40 = %while3A_37 to %while3A_33 step %while3A_39  : i32 {
        %mul3A = arith.constant 256 : i32
        %mul3A_41 = arith.muli %while3A_40, %mul3A : i32
        %add3A = arith.addi %get3A_2, %mul3A_41 : i32
        %multiple_of3A = tpu.assume_multiple %add3A, 256 : i32
        %get3A_42 = arith.index_cast %multiple_of3A : i32 to index
        %get3A_43 = arith.constant 0 : index
        %get3A_44 = vector.load %arg6[%get3A_42, %get3A_43] : memref<3840x1024xf32, #tpu.memory_space<vmem>>, vector<256x1024xf32>
        %convert_element_type3A_45 = arith.truncf %get3A_44 : vector<256x1024xf32> to vector<256x1024xbf16>
        %dot_general3A = arith.constant dense<0.000000e+00> : vector<256x1024xf32>
        %dot_general3A_46 = tpu.matmul %convert_element_type3A_45, %convert_element_type3A, %dot_general3A {dimension_numbers = #tpu.dot_dimension_numbers<[1], [0], [0], [1], [0, 0, 1, 1], [], []>, transpose_lhs_hint = false} : vector<256x1024xbf16>, vector<1024x1024xbf16>, vector<256x1024xf32> -> vector<256x1024xf32>
        %add3A_47 = vector.broadcast %get3A_17 : vector<1x1024xf32> to vector<256x1024xf32>
        %add3A_48 = arith.addf %dot_general3A_46, %add3A_47 : vector<256x1024xf32>
        %mul3A_49 = arith.constant 5.000000e-01 : f32
        %mul3A_50 = vector.broadcast %mul3A_49 : f32 to vector<256x1024xf32>
        %mul3A_51 = arith.mulf %mul3A_50, %add3A_48 : vector<256x1024xf32>
        %mul3A_52 = arith.constant 0.707106769 : f32
        %mul3A_53 = vector.broadcast %mul3A_52 : f32 to vector<256x1024xf32>
        %mul3A_54 = arith.mulf %add3A_48, %mul3A_53 : vector<256x1024xf32>
        %erf3A = math.erf %mul3A_54 : vector<256x1024xf32>
        %add3A_55 = arith.constant 1.000000e+00 : f32
        %add3A_56 = vector.broadcast %add3A_55 : f32 to vector<256x1024xf32>
        %add3A_57 = arith.addf %add3A_56, %erf3A : vector<256x1024xf32>
        %mul3A_58 = arith.mulf %mul3A_51, %add3A_57 : vector<256x1024xf32>
        %convert_element_type3A_59 = arith.truncf %mul3A_58 : vector<256x1024xf32> to vector<256x1024xbf16>
        %dot_general3A_60 = arith.constant dense<0.000000e+00> : vector<256x1024xf32>
        %dot_general3A_61 = tpu.matmul %convert_element_type3A_59, %convert_element_type3A_23, %dot_general3A_60 {dimension_numbers = #tpu.dot_dimension_numbers<[1], [0], [0], [1], [0, 0, 1, 1], [], []>, transpose_lhs_hint = false} : vector<256x1024xbf16>, vector<1024x1024xbf16>, vector<256x1024xf32> -> vector<256x1024xf32>
        %eq3A_62 = arith.constant 0 : i32
        %eq3A_63 = arith.cmpi eq, %arg1, %eq3A_62 : i32
        %add3A_64 = vector.broadcast %get3A_22 : vector<1x1024xf32> to vector<256x1024xf32>
        %add3A_65 = arith.addf %add3A_64, %dot_general3A_61 : vector<256x1024xf32>
        %get3A_66 = arith.index_cast %multiple_of3A : i32 to index
        %get3A_67 = arith.constant 0 : index
        %get3A_68 = vector.load %arg13[%get3A_66, %get3A_67] : memref<3840x1024xf32, #tpu.memory_space<vmem>>, vector<256x1024xf32>
        %add3A_69 = arith.addf %get3A_68, %dot_general3A_61 : vector<256x1024xf32>
        %select_n3A = arith.select %eq3A_63, %add3A_65, %add3A_69 : vector<256x1024xf32>
        %swap3A = arith.index_cast %multiple_of3A : i32 to index
        %swap3A_70 = arith.constant 0 : index
        %swap3A_71 = vector.load %arg13[%swap3A, %swap3A_70] : memref<3840x1024xf32, #tpu.memory_space<vmem>>, vector<256x1024xf32>
        tpu.vector_store %arg13[%swap3A, %swap3A_70], %select_n3A {strides = array<i32>} : memref<3840x1024xf32, #tpu.memory_space<vmem>>, vector<256x1024xf32>,
      }
    } else {
    }
    %eq3A = arith.constant 3 : i32
    %eq3A_27 = arith.cmpi eq, %arg1, %eq3A : i32
    %convert_element_type3A_28 = arith.extui %eq3A_27 : i1 to i32
    %cond3A_29 = arith.constant 0 : i32
    %cond3A_30 = arith.cmpi ne, %convert_element_type3A_28, %cond3A_29 : i32
    scf.if %cond3A_30 {
      %while3A = arith.constant 0 : i32
      %while3A_31 = arith.constant 0 : i32
      %while3A_32 = arith.subi %get3A_0, %while3A_31 : i32
      %while3A_33 = arith.addi %while3A_31, %while3A_32 : i32
      %while3A_34 = arith.constant 1 : i32
      %while3A_35 = arith.divsi %while3A_32, %while3A_34 : i32
      %while3A_36 = arith.muli %while3A_35, %while3A_34 : i32
      %while3A_37 = arith.addi %while3A_31, %while3A_36 : i32
      %while3A_38 = arith.constant 1 : i32
      scf.for %while3A_40 = %while3A_31 to %while3A_37 step %while3A_38  : i32 {
        %mul3A = arith.constant 256 : i32
        %mul3A_41 = arith.muli %while3A_40, %mul3A : i32
        %add3A = arith.addi %get3A_2, %mul3A_41 : i32
        %multiple_of3A = tpu.assume_multiple %add3A, 256 : i32
        %get3A_42 = arith.index_cast %multiple_of3A : i32 to index
        %get3A_43 = arith.constant 0 : index
        %get3A_44 = vector.load %arg6[%get3A_42, %get3A_43] : memref<3840x1024xf32, #tpu.memory_space<vmem>>, vector<256x1024xf32>
        %convert_element_type3A_45 = arith.truncf %get3A_44 : vector<256x1024xf32> to vector<256x1024xbf16>
        %dot_general3A = arith.constant dense<0.000000e+00> : vector<256x1024xf32>
        %dot_general3A_46 = tpu.matmul %convert_element_type3A_45, %convert_element_type3A, %dot_general3A {dimension_numbers = #tpu.dot_dimension_numbers<[1], [0], [0], [1], [0, 0, 1, 1], [], []>, transpose_lhs_hint = false} : vector<256x1024xbf16>, vector<1024x1024xbf16>, vector<256x1024xf32> -> vector<256x1024xf32>
        %add3A_47 = vector.broadcast %get3A_17 : vector<1x1024xf32> to vector<256x1024xf32>
        %add3A_48 = arith.addf %dot_general3A_46, %add3A_47 : vector<256x1024xf32>
        %mul3A_49 = arith.constant 5.000000e-01 : f32
        %mul3A_50 = vector.broadcast %mul3A_49 : f32 to vector<256x1024xf32>
        %mul3A_51 = arith.mulf %mul3A_50, %add3A_48 : vector<256x1024xf32>
        %mul3A_52 = arith.constant 0.707106769 : f32
        %mul3A_53 = vector.broadcast %mul3A_52 : f32 to vector<256x1024xf32>
        %mul3A_54 = arith.mulf %add3A_48, %mul3A_53 : vector<256x1024xf32>
        %erf3A = math.erf %mul3A_54 : vector<256x1024xf32>
        %add3A_55 = arith.constant 1.000000e+00 : f32
        %add3A_56 = vector.broadcast %add3A_55 : f32 to vector<256x1024xf32>
        %add3A_57 = arith.addf %add3A_56, %erf3A : vector<256x1024xf32>
        %mul3A_58 = arith.mulf %mul3A_51, %add3A_57 : vector<256x1024xf32>
        %convert_element_type3A_59 = arith.truncf %mul3A_58 : vector<256x1024xf32> to vector<256x1024xbf16>
        %dot_general3A_60 = arith.constant dense<0.000000e+00> : vector<256x1024xf32>
        %dot_general3A_61 = tpu.matmul %convert_element_type3A_59, %convert_element_type3A_23, %dot_general3A_60 {dimension_numbers = #tpu.dot_dimension_numbers<[1], [0], [0], [1], [0, 0, 1, 1], [], []>, transpose_lhs_hint = false} : vector<256x1024xbf16>, vector<1024x1024xbf16>, vector<256x1024xf32> -> vector<256x1024xf32>
        %eq3A_62 = arith.constant 0 : i32
        %eq3A_63 = arith.cmpi eq, %arg1, %eq3A_62 : i32
        %add3A_64 = vector.broadcast %get3A_22 : vector<1x1024xf32> to vector<256x1024xf32>
        %add3A_65 = arith.addf %add3A_64, %dot_general3A_61 : vector<256x1024xf32>
        %get3A_66 = arith.index_cast %multiple_of3A : i32 to index
        %get3A_67 = arith.constant 0 : index
        %get3A_68 = vector.load %arg13[%get3A_66, %get3A_67] : memref<3840x1024xf32, #tpu.memory_space<vmem>>, vector<256x1024xf32>
        %add3A_69 = arith.addf %get3A_68, %dot_general3A_61 : vector<256x1024xf32>
        %select_n3A = arith.select %eq3A_63, %add3A_65, %add3A_69 : vector<256x1024xf32>
        %add3A_70 = arith.addf %get3A_44, %select_n3A : vector<256x1024xf32>
        %get3A_71 = arith.constant 0 : index
        %get3A_72 = arith.constant 0 : index
        %get3A_73 = vector.load %arg11[%get3A_71, %get3A_72] : memref<1x1024xf32, #tpu.memory_space<vmem>>, vector<1x1024xf32>
        %get3A_74 = arith.constant 0 : index
        %get3A_75 = arith.constant 0 : index
        %get3A_76 = vector.load %arg12[%get3A_74, %get3A_75] : memref<1x1024xf32, #tpu.memory_space<vmem>>, vector<1x1024xf32>
        %reduce_sum3A = arith.constant dense<0.000000e+00> : vector<256xf32>
        %reduce_sum3A_77 = vector.multi_reduction <add>, %add3A_70, %reduce_sum3A [1] : vector<256x1024xf32> to vector<256xf32>
        %broadcast_in_dim3A = vector.shape_cast %reduce_sum3A_77 : vector<256xf32> to vector<256x1xf32>
        %div3A = arith.constant 1.024000e+03 : f32
        %div3A_78 = vector.broadcast %div3A : f32 to vector<256x1xf32>
        %div3A_79 = arith.divf %broadcast_in_dim3A, %div3A_78 : vector<256x1xf32>
        %sub3A = vector.broadcast %div3A_79 : vector<256x1xf32> to vector<256x1024xf32>
        %sub3A_80 = arith.subf %add3A_70, %sub3A : vector<256x1024xf32>
        %mul3A_81 = arith.mulf %sub3A_80, %sub3A_80 : vector<256x1024xf32>
        %reduce_sum3A_82 = arith.constant dense<0.000000e+00> : vector<256xf32>
        %reduce_sum3A_83 = vector.multi_reduction <add>, %mul3A_81, %reduce_sum3A_82 [1] : vector<256x1024xf32> to vector<256xf32>
        %broadcast_in_dim3A_84 = vector.shape_cast %reduce_sum3A_83 : vector<256xf32> to vector<256x1xf32>
        %div3A_85 = arith.constant 1.024000e+03 : f32
        %div3A_86 = vector.broadcast %div3A_85 : f32 to vector<256x1xf32>
        %div3A_87 = arith.divf %broadcast_in_dim3A_84, %div3A_86 : vector<256x1xf32>
        %add3A_88 = arith.constant 9.99999974E-6 : f32
        %add3A_89 = vector.broadcast %add3A_88 : f32 to vector<256x1xf32>
        %add3A_90 = arith.addf %div3A_87, %add3A_89 : vector<256x1xf32>
        %rsqrt3A = math.rsqrt %add3A_90 : vector<256x1xf32>
        %mul3A_91 = vector.broadcast %rsqrt3A : vector<256x1xf32> to vector<256x1024xf32>
        %mul3A_92 = arith.mulf %sub3A_80, %mul3A_91 : vector<256x1024xf32>
        %mul3A_93 = vector.broadcast %get3A_73 : vector<1x1024xf32> to vector<256x1024xf32>
        %mul3A_94 = arith.mulf %mul3A_92, %mul3A_93 : vector<256x1024xf32>
        %add3A_95 = vector.broadcast %get3A_76 : vector<1x1024xf32> to vector<256x1024xf32>
        %add3A_96 = arith.addf %mul3A_94, %add3A_95 : vector<256x1024xf32>
        %swap3A = arith.index_cast %multiple_of3A : i32 to index
        %swap3A_97 = arith.constant 0 : index
        %swap3A_98 = vector.load %arg13[%swap3A, %swap3A_97] : memref<3840x1024xf32, #tpu.memory_space<vmem>>, vector<256x1024xf32>
        tpu.vector_store %arg13[%swap3A, %swap3A_97], %add3A_96 {strides = array<i32>} : memref<3840x1024xf32, #tpu.memory_space<vmem>>, vector<256x1024xf32>,
      }
      %while3A_39 = arith.constant 1 : i32
      scf.for %while3A_40 = %while3A_37 to %while3A_33 step %while3A_39  : i32 {
        %mul3A = arith.constant 256 : i32
        %mul3A_41 = arith.muli %while3A_40, %mul3A : i32
        %add3A = arith.addi %get3A_2, %mul3A_41 : i32
        %multiple_of3A = tpu.assume_multiple %add3A, 256 : i32
        %get3A_42 = arith.index_cast %multiple_of3A : i32 to index
        %get3A_43 = arith.constant 0 : index
        %get3A_44 = vector.load %arg6[%get3A_42, %get3A_43] : memref<3840x1024xf32, #tpu.memory_space<vmem>>, vector<256x1024xf32>
        %convert_element_type3A_45 = arith.truncf %get3A_44 : vector<256x1024xf32> to vector<256x1024xbf16>
        %dot_general3A = arith.constant dense<0.000000e+00> : vector<256x1024xf32>
        %dot_general3A_46 = tpu.matmul %convert_element_type3A_45, %convert_element_type3A, %dot_general3A {dimension_numbers = #tpu.dot_dimension_numbers<[1], [0], [0], [1], [0, 0, 1, 1], [], []>, transpose_lhs_hint = false} : vector<256x1024xbf16>, vector<1024x1024xbf16>, vector<256x1024xf32> -> vector<256x1024xf32>
        %add3A_47 = vector.broadcast %get3A_17 : vector<1x1024xf32> to vector<256x1024xf32>
        %add3A_48 = arith.addf %dot_general3A_46, %add3A_47 : vector<256x1024xf32>
        %mul3A_49 = arith.constant 5.000000e-01 : f32
        %mul3A_50 = vector.broadcast %mul3A_49 : f32 to vector<256x1024xf32>
        %mul3A_51 = arith.mulf %mul3A_50, %add3A_48 : vector<256x1024xf32>
        %mul3A_52 = arith.constant 0.707106769 : f32
        %mul3A_53 = vector.broadcast %mul3A_52 : f32 to vector<256x1024xf32>
        %mul3A_54 = arith.mulf %add3A_48, %mul3A_53 : vector<256x1024xf32>
        %erf3A = math.erf %mul3A_54 : vector<256x1024xf32>
        %add3A_55 = arith.constant 1.000000e+00 : f32
        %add3A_56 = vector.broadcast %add3A_55 : f32 to vector<256x1024xf32>
        %add3A_57 = arith.addf %add3A_56, %erf3A : vector<256x1024xf32>
        %mul3A_58 = arith.mulf %mul3A_51, %add3A_57 : vector<256x1024xf32>
        %convert_element_type3A_59 = arith.truncf %mul3A_58 : vector<256x1024xf32> to vector<256x1024xbf16>
        %dot_general3A_60 = arith.constant dense<0.000000e+00> : vector<256x1024xf32>
        %dot_general3A_61 = tpu.matmul %convert_element_type3A_59, %convert_element_type3A_23, %dot_general3A_60 {dimension_numbers = #tpu.dot_dimension_numbers<[1], [0], [0], [1], [0, 0, 1, 1], [], []>, transpose_lhs_hint = false} : vector<256x1024xbf16>, vector<1024x1024xbf16>, vector<256x1024xf32> -> vector<256x1024xf32>
        %eq3A_62 = arith.constant 0 : i32
        %eq3A_63 = arith.cmpi eq, %arg1, %eq3A_62 : i32
        %add3A_64 = vector.broadcast %get3A_22 : vector<1x1024xf32> to vector<256x1024xf32>
        %add3A_65 = arith.addf %add3A_64, %dot_general3A_61 : vector<256x1024xf32>
        %get3A_66 = arith.index_cast %multiple_of3A : i32 to index
        %get3A_67 = arith.constant 0 : index
        %get3A_68 = vector.load %arg13[%get3A_66, %get3A_67] : memref<3840x1024xf32, #tpu.memory_space<vmem>>, vector<256x1024xf32>
        %add3A_69 = arith.addf %get3A_68, %dot_general3A_61 : vector<256x1024xf32>
        %select_n3A = arith.select %eq3A_63, %add3A_65, %add3A_69 : vector<256x1024xf32>
        %add3A_70 = arith.addf %get3A_44, %select_n3A : vector<256x1024xf32>
        %get3A_71 = arith.constant 0 : index
        %get3A_72 = arith.constant 0 : index
        %get3A_73 = vector.load %arg11[%get3A_71, %get3A_72] : memref<1x1024xf32, #tpu.memory_space<vmem>>, vector<1x1024xf32>
        %get3A_74 = arith.constant 0 : index
        %get3A_75 = arith.constant 0 : index
        %get3A_76 = vector.load %arg12[%get3A_74, %get3A_75] : memref<1x1024xf32, #tpu.memory_space<vmem>>, vector<1x1024xf32>
        %reduce_sum3A = arith.constant dense<0.000000e+00> : vector<256xf32>
        %reduce_sum3A_77 = vector.multi_reduction <add>, %add3A_70, %reduce_sum3A [1] : vector<256x1024xf32> to vector<256xf32>
        %broadcast_in_dim3A = vector.shape_cast %reduce_sum3A_77 : vector<256xf32> to vector<256x1xf32>
        %div3A = arith.constant 1.024000e+03 : f32
        %div3A_78 = vector.broadcast %div3A : f32 to vector<256x1xf32>
        %div3A_79 = arith.divf %broadcast_in_dim3A, %div3A_78 : vector<256x1xf32>
        %sub3A = vector.broadcast %div3A_79 : vector<256x1xf32> to vector<256x1024xf32>
        %sub3A_80 = arith.subf %add3A_70, %sub3A : vector<256x1024xf32>
        %mul3A_81 = arith.mulf %sub3A_80, %sub3A_80 : vector<256x1024xf32>
        %reduce_sum3A_82 = arith.constant dense<0.000000e+00> : vector<256xf32>
        %reduce_sum3A_83 = vector.multi_reduction <add>, %mul3A_81, %reduce_sum3A_82 [1] : vector<256x1024xf32> to vector<256xf32>
        %broadcast_in_dim3A_84 = vector.shape_cast %reduce_sum3A_83 : vector<256xf32> to vector<256x1xf32>
        %div3A_85 = arith.constant 1.024000e+03 : f32
        %div3A_86 = vector.broadcast %div3A_85 : f32 to vector<256x1xf32>
        %div3A_87 = arith.divf %broadcast_in_dim3A_84, %div3A_86 : vector<256x1xf32>
        %add3A_88 = arith.constant 9.99999974E-6 : f32
        %add3A_89 = vector.broadcast %add3A_88 : f32 to vector<256x1xf32>
        %add3A_90 = arith.addf %div3A_87, %add3A_89 : vector<256x1xf32>
        %rsqrt3A = math.rsqrt %add3A_90 : vector<256x1xf32>
        %mul3A_91 = vector.broadcast %rsqrt3A : vector<256x1xf32> to vector<256x1024xf32>
        %mul3A_92 = arith.mulf %sub3A_80, %mul3A_91 : vector<256x1024xf32>
        %mul3A_93 = vector.broadcast %get3A_73 : vector<1x1024xf32> to vector<256x1024xf32>
        %mul3A_94 = arith.mulf %mul3A_92, %mul3A_93 : vector<256x1024xf32>
        %add3A_95 = vector.broadcast %get3A_76 : vector<1x1024xf32> to vector<256x1024xf32>
        %add3A_96 = arith.addf %mul3A_94, %add3A_95 : vector<256x1024xf32>
        %swap3A = arith.index_cast %multiple_of3A : i32 to index
        %swap3A_97 = arith.constant 0 : index
        %swap3A_98 = vector.load %arg13[%swap3A, %swap3A_97] : memref<3840x1024xf32, #tpu.memory_space<vmem>>, vector<256x1024xf32>
        tpu.vector_store %arg13[%swap3A, %swap3A_97], %add3A_96 {strides = array<i32>} : memref<3840x1024xf32, #tpu.memory_space<vmem>>, vector<256x1024xf32>,
      }
    } else {
    }
    return
  }
  func.func @transform_0(%arg0: i32, %arg1: i32, %arg2: memref<8xi32, #tpu.memory_space<smem>>, %arg3: memref<8xi32, #tpu.memory_space<smem>>, %arg4: memref<8xi32, #tpu.memory_space<smem>>, %arg5: memref<8xi32, #tpu.memory_space<smem>>) -> (i32, i32) {
    %c0_i32 = arith.constant 0 : i32
    %c0_i32_0 = arith.constant 0 : i32
    %c0_i32_1 = arith.constant 0 : i32
    return %c0_i32, %c0_i32_0 : i32, i32
  }
  func.func @transform_1(%arg0: i32, %arg1: i32, %arg2: memref<8xi32, #tpu.memory_space<smem>>, %arg3: memref<8xi32, #tpu.memory_space<smem>>, %arg4: memref<8xi32, #tpu.memory_space<smem>>, %arg5: memref<8xi32, #tpu.memory_space<smem>>) -> (i32, i32, i32) {
    %get3A = arith.index_cast %arg0 : i32 to index
    %get3A_0 = memref.load %arg2[%get3A] : memref<8xi32, #tpu.memory_space<smem>>
    %jit3A = arith.constant 2 : i32
    %eq3A = arith.constant 0 : i32
    %eq3A_1 = arith.cmpi eq, %jit3A, %eq3A : i32
    %jit3A_2 = arith.constant 1 : i32
    %select_n3A = arith.select %eq3A_1, %jit3A_2, %jit3A : i32
    %rem3A = arith.remsi %arg0, %select_n3A : i32
    %ne3A = arith.constant 0 : i32
    %ne3A_3 = arith.cmpi ne, %rem3A, %ne3A : i32
    %lt3A = arith.constant 0 : i32
    %lt3A_4 = arith.cmpi slt, %rem3A, %lt3A : i32
    %lt3A_5 = arith.constant 0 : i32
    %lt3A_6 = arith.cmpi slt, %select_n3A, %lt3A_5 : i32
    %ne3A_7 = arith.xori %lt3A_4, %lt3A_6 : i1
    %and3A = arith.andi %ne3A_7, %ne3A_3 : i1
    %add3A = arith.addi %rem3A, %select_n3A : i32
    %select_n3A_8 = arith.select %and3A, %add3A, %rem3A : i32
    %eq3A_9 = arith.constant 0 : i32
    %eq3A_10 = arith.cmpi eq, %select_n3A_8, %eq3A_9 : i32
    %sub3A = arith.constant 3 : i32
    %sub3A_11 = arith.subi %sub3A, %arg1 : i32
    %select_n3A_12 = arith.select %eq3A_10, %arg1, %sub3A_11 : i32
    %jit3A_13 = arith.constant 2 : i32
    %eq3A_14 = arith.constant 0 : i32
    %eq3A_15 = arith.cmpi eq, %jit3A_13, %eq3A_14 : i32
    %jit3A_16 = arith.constant 1 : i32
    %select_n3A_17 = arith.select %eq3A_15, %jit3A_16, %jit3A_13 : i32
    %rem3A_18 = arith.remsi %arg0, %select_n3A_17 : i32
    %ne3A_19 = arith.constant 0 : i32
    %ne3A_20 = arith.cmpi ne, %rem3A_18, %ne3A_19 : i32
    %lt3A_21 = arith.constant 0 : i32
    %lt3A_22 = arith.cmpi slt, %rem3A_18, %lt3A_21 : i32
    %lt3A_23 = arith.constant 0 : i32
    %lt3A_24 = arith.cmpi slt, %select_n3A_17, %lt3A_23 : i32
    %ne3A_25 = arith.xori %lt3A_22, %lt3A_24 : i1
    %and3A_26 = arith.andi %ne3A_25, %ne3A_20 : i1
    %add3A_27 = arith.addi %rem3A_18, %select_n3A_17 : i32
    %select_n3A_28 = arith.select %and3A_26, %add3A_27, %rem3A_18 : i32
    %eq3A_29 = arith.constant 0 : i32
    %eq3A_30 = arith.cmpi eq, %select_n3A_28, %eq3A_29 : i32
    %jit3A_31 = arith.constant 0 : i32
    %jit3A_32 = arith.constant 3 : i32
    %select_n3A_33 = arith.select %eq3A_30, %jit3A_31, %jit3A_32 : i32
    %get3A_34 = arith.index_cast %arg0 : i32 to index
    %get3A_35 = memref.load %arg5[%get3A_34] : memref<8xi32, #tpu.memory_space<smem>>
    %eq3A_36 = arith.constant 1 : i32
    %eq3A_37 = arith.cmpi eq, %get3A_35, %eq3A_36 : i32
    %select_n3A_38 = arith.select %eq3A_37, %select_n3A_12, %select_n3A_33 : i32
    %c0_i32 = arith.constant 0 : i32
    %c0_i32_39 = arith.constant 0 : i32
    return %get3A_0, %c0_i32, %select_n3A_38 : i32, i32, i32
  }
  func.func @transform_2(%arg0: i32, %arg1: i32, %arg2: memref<8xi32, #tpu.memory_space<smem>>, %arg3: memref<8xi32, #tpu.memory_space<smem>>, %arg4: memref<8xi32, #tpu.memory_space<smem>>, %arg5: memref<8xi32, #tpu.memory_space<smem>>) -> (i32, i32, i32) {
    %get3A = arith.index_cast %arg0 : i32 to index
    %get3A_0 = memref.load %arg2[%get3A] : memref<8xi32, #tpu.memory_space<smem>>
    %jit3A = arith.constant 2 : i32
    %eq3A = arith.constant 0 : i32
    %eq3A_1 = arith.cmpi eq, %jit3A, %eq3A : i32
    %jit3A_2 = arith.constant 1 : i32
    %select_n3A = arith.select %eq3A_1, %jit3A_2, %jit3A : i32
    %rem3A = arith.remsi %arg0, %select_n3A : i32
    %ne3A = arith.constant 0 : i32
    %ne3A_3 = arith.cmpi ne, %rem3A, %ne3A : i32
    %lt3A = arith.constant 0 : i32
    %lt3A_4 = arith.cmpi slt, %rem3A, %lt3A : i32
    %lt3A_5 = arith.constant 0 : i32
    %lt3A_6 = arith.cmpi slt, %select_n3A, %lt3A_5 : i32
    %ne3A_7 = arith.xori %lt3A_4, %lt3A_6 : i1
    %and3A = arith.andi %ne3A_7, %ne3A_3 : i1
    %add3A = arith.addi %rem3A, %select_n3A : i32
    %select_n3A_8 = arith.select %and3A, %add3A, %rem3A : i32
    %eq3A_9 = arith.constant 0 : i32
    %eq3A_10 = arith.cmpi eq, %select_n3A_8, %eq3A_9 : i32
    %sub3A = arith.constant 3 : i32
    %sub3A_11 = arith.subi %sub3A, %arg1 : i32
    %select_n3A_12 = arith.select %eq3A_10, %arg1, %sub3A_11 : i32
    %jit3A_13 = arith.constant 2 : i32
    %eq3A_14 = arith.constant 0 : i32
    %eq3A_15 = arith.cmpi eq, %jit3A_13, %eq3A_14 : i32
    %jit3A_16 = arith.constant 1 : i32
    %select_n3A_17 = arith.select %eq3A_15, %jit3A_16, %jit3A_13 : i32
    %rem3A_18 = arith.remsi %arg0, %select_n3A_17 : i32
    %ne3A_19 = arith.constant 0 : i32
    %ne3A_20 = arith.cmpi ne, %rem3A_18, %ne3A_19 : i32
    %lt3A_21 = arith.constant 0 : i32
    %lt3A_22 = arith.cmpi slt, %rem3A_18, %lt3A_21 : i32
    %lt3A_23 = arith.constant 0 : i32
    %lt3A_24 = arith.cmpi slt, %select_n3A_17, %lt3A_23 : i32
    %ne3A_25 = arith.xori %lt3A_22, %lt3A_24 : i1
    %and3A_26 = arith.andi %ne3A_25, %ne3A_20 : i1
    %add3A_27 = arith.addi %rem3A_18, %select_n3A_17 : i32
    %select_n3A_28 = arith.select %and3A_26, %add3A_27, %rem3A_18 : i32
    %eq3A_29 = arith.constant 0 : i32
    %eq3A_30 = arith.cmpi eq, %select_n3A_28, %eq3A_29 : i32
    %jit3A_31 = arith.constant 0 : i32
    %jit3A_32 = arith.constant 3 : i32
    %select_n3A_33 = arith.select %eq3A_30, %jit3A_31, %jit3A_32 : i32
    %get3A_34 = arith.index_cast %arg0 : i32 to index
    %get3A_35 = memref.load %arg5[%get3A_34] : memref<8xi32, #tpu.memory_space<smem>>
    %eq3A_36 = arith.constant 1 : i32
    %eq3A_37 = arith.cmpi eq, %get3A_35, %eq3A_36 : i32
    %select_n3A_38 = arith.select %eq3A_37, %select_n3A_12, %select_n3A_33 : i32
    %c0_i32 = arith.constant 0 : i32
    %c0_i32_39 = arith.constant 0 : i32
    return %get3A_0, %c0_i32, %select_n3A_38 : i32, i32, i32
  }
  func.func @transform_3(%arg0: i32, %arg1: i32, %arg2: memref<8xi32, #tpu.memory_space<smem>>, %arg3: memref<8xi32, #tpu.memory_space<smem>>, %arg4: memref<8xi32, #tpu.memory_space<smem>>, %arg5: memref<8xi32, #tpu.memory_space<smem>>) -> (i32, i32, i32) {
    %get3A = arith.index_cast %arg0 : i32 to index
    %get3A_0 = memref.load %arg2[%get3A] : memref<8xi32, #tpu.memory_space<smem>>
    %jit3A = arith.constant 2 : i32
    %eq3A = arith.constant 0 : i32
    %eq3A_1 = arith.cmpi eq, %jit3A, %eq3A : i32
    %jit3A_2 = arith.constant 1 : i32
    %select_n3A = arith.select %eq3A_1, %jit3A_2, %jit3A : i32
    %rem3A = arith.remsi %arg0, %select_n3A : i32
    %ne3A = arith.constant 0 : i32
    %ne3A_3 = arith.cmpi ne, %rem3A, %ne3A : i32
    %lt3A = arith.constant 0 : i32
    %lt3A_4 = arith.cmpi slt, %rem3A, %lt3A : i32
    %lt3A_5 = arith.constant 0 : i32
    %lt3A_6 = arith.cmpi slt, %select_n3A, %lt3A_5 : i32
    %ne3A_7 = arith.xori %lt3A_4, %lt3A_6 : i1
    %and3A = arith.andi %ne3A_7, %ne3A_3 : i1
    %add3A = arith.addi %rem3A, %select_n3A : i32
    %select_n3A_8 = arith.select %and3A, %add3A, %rem3A : i32
    %eq3A_9 = arith.constant 0 : i32
    %eq3A_10 = arith.cmpi eq, %select_n3A_8, %eq3A_9 : i32
    %sub3A = arith.constant 3 : i32
    %sub3A_11 = arith.subi %sub3A, %arg1 : i32
    %select_n3A_12 = arith.select %eq3A_10, %arg1, %sub3A_11 : i32
    %jit3A_13 = arith.constant 2 : i32
    %eq3A_14 = arith.constant 0 : i32
    %eq3A_15 = arith.cmpi eq, %jit3A_13, %eq3A_14 : i32
    %jit3A_16 = arith.constant 1 : i32
    %select_n3A_17 = arith.select %eq3A_15, %jit3A_16, %jit3A_13 : i32
    %rem3A_18 = arith.remsi %arg0, %select_n3A_17 : i32
    %ne3A_19 = arith.constant 0 : i32
    %ne3A_20 = arith.cmpi ne, %rem3A_18, %ne3A_19 : i32
    %lt3A_21 = arith.constant 0 : i32
    %lt3A_22 = arith.cmpi slt, %rem3A_18, %lt3A_21 : i32
    %lt3A_23 = arith.constant 0 : i32
    %lt3A_24 = arith.cmpi slt, %select_n3A_17, %lt3A_23 : i32
    %ne3A_25 = arith.xori %lt3A_22, %lt3A_24 : i1
    %and3A_26 = arith.andi %ne3A_25, %ne3A_20 : i1
    %add3A_27 = arith.addi %rem3A_18, %select_n3A_17 : i32
    %select_n3A_28 = arith.select %and3A_26, %add3A_27, %rem3A_18 : i32
    %eq3A_29 = arith.constant 0 : i32
    %eq3A_30 = arith.cmpi eq, %select_n3A_28, %eq3A_29 : i32
    %jit3A_31 = arith.constant 0 : i32
    %jit3A_32 = arith.constant 3 : i32
    %select_n3A_33 = arith.select %eq3A_30, %jit3A_31, %jit3A_32 : i32
    %get3A_34 = arith.index_cast %arg0 : i32 to index
    %get3A_35 = memref.load %arg5[%get3A_34] : memref<8xi32, #tpu.memory_space<smem>>
    %eq3A_36 = arith.constant 1 : i32
    %eq3A_37 = arith.cmpi eq, %get3A_35, %eq3A_36 : i32
    %select_n3A_38 = arith.select %eq3A_37, %select_n3A_12, %select_n3A_33 : i32
    %c0_i32 = arith.constant 0 : i32
    %c0_i32_39 = arith.constant 0 : i32
    return %get3A_0, %select_n3A_38, %c0_i32 : i32, i32, i32
  }
  func.func @transform_4(%arg0: i32, %arg1: i32, %arg2: memref<8xi32, #tpu.memory_space<smem>>, %arg3: memref<8xi32, #tpu.memory_space<smem>>, %arg4: memref<8xi32, #tpu.memory_space<smem>>, %arg5: memref<8xi32, #tpu.memory_space<smem>>) -> (i32, i32, i32) {
    %get3A = arith.index_cast %arg0 : i32 to index
    %get3A_0 = memref.load %arg2[%get3A] : memref<8xi32, #tpu.memory_space<smem>>
    %c0_i32 = arith.constant 0 : i32
    %c0_i32_1 = arith.constant 0 : i32
    %c0_i32_2 = arith.constant 0 : i32
    return %get3A_0, %c0_i32, %c0_i32_1 : i32, i32, i32
  }
  func.func @transform_5(%arg0: i32, %arg1: i32, %arg2: memref<8xi32, #tpu.memory_space<smem>>, %arg3: memref<8xi32, #tpu.memory_space<smem>>, %arg4: memref<8xi32, #tpu.memory_space<smem>>, %arg5: memref<8xi32, #tpu.memory_space<smem>>) -> (i32, i32) {
    %c0_i32 = arith.constant 0 : i32
    %c0_i32_0 = arith.constant 0 : i32
    %c0_i32_1 = arith.constant 0 : i32
    return %c0_i32, %c0_i32_0 : i32, i32
  }
  func.func @transform_6(%arg0: i32, %arg1: i32, %arg2: memref<8xi32, #tpu.memory_space<smem>>, %arg3: memref<8xi32, #tpu.memory_space<smem>>, %arg4: memref<8xi32, #tpu.memory_space<smem>>, %arg5: memref<8xi32, #tpu.memory_space<smem>>) -> (i32, i32) {
    %c0_i32 = arith.constant 0 : i32
    %c0_i32_0 = arith.constant 0 : i32
    %c0_i32_1 = arith.constant 0 : i32
    return %c0_i32, %c0_i32_0 : i32, i32
  }
  func.func @transform_7(%arg0: i32, %arg1: i32, %arg2: memref<8xi32, #tpu.memory_space<smem>>, %arg3: memref<8xi32, #tpu.memory_space<smem>>, %arg4: memref<8xi32, #tpu.memory_space<smem>>, %arg5: memref<8xi32, #tpu.memory_space<smem>>) -> (i32, i32) {
    %c0_i32 = arith.constant 0 : i32
    %c0_i32_0 = arith.constant 0 : i32
    %c0_i32_1 = arith.constant 0 : i32
    return %c0_i32, %c0_i32_0 : i32, i32
  }
}

</mosaic_0001>

<sc_bundles>
// kernel: kernel.12.cloned.1.call-start
scs
__scs_entry_jumppad:
0x0: {  	(pc) =	sbr.rel $0x88, $3  }
0x1: {  	(tag) =	ssettag $0x0;
	lr =	simm.s32 $0x1  }
0x2: {  	[smem:$0x3F93] =	sst lr;
	_ =	strace $0xD0000000  }
0x3: {  	_ = 	snop  }
0x4: {  	_ = 	snop  }
0x5: {  	_ = 	snop  }
0x6: {  	_ = 	snop  }
0x7: {  	_ = 	snop  }
__scs_overlays_trampoline_lowered:
0x8: {  	[smem:$0x3FA2] =	sst s0  }
0x9: {  	[smem:$0x3FA3] =	sst s1  }
0xa: {  	[smem:$0x3FA4] =	sst s2  }
0xb: {  	[smem:$0x3FA5] =	sst s3  }
0xc: {  	[smem:$0x3FA6] =	sst s4  }
0xd: {  	[smem:$0x3FA7] =	sst s5  }
0xe: {  	[smem:$0x3FA8] =	sst s6  }
0xf: {  	[smem:$0x3FA9] =	sst s7  }
0x10: {  	[smem:$0x3FAA] =	sst s8  }
0x11: {  	[smem:$0x3FAB] =	sst s9;
	s0 =	simm.s32 @!p0 $0x0  }
0x12: {  	s1 =	sld [smem:$0x3F91];
	s0 =	simm.s32 @p0 $0x1  }
0x13: {  	[smem:$0x3FAC] =	sst s0;
	s0 =	simm.s32 @!p1 $0x0  }
0x14: {  	s2 =	sld [smem:$0x3F90];
	s0 =	simm.s32 @p1 $0x1  }
0x15: {  	[smem:$0x3FAD] =	sst s0;
	s0 =	simm.s32 @!p2 $0x0  }
0x16: {  	s3 =	sld [smem:$0x3FDB];
	s0 =	simm.s32 @p2 $0x1  }
0x17: {  	s4 =	simm.s32 $0x1BF5;
	[smem:$0x3FAF] =	sst s0  }
0x18: {  	s0 =	sld [smem:$0x3F92];
	_ =	swait.ge [sflag:s4], $0x0  }
0x19: {  	s7 =	sld [smem:$0x3F93]  }
0x1a: {  	s8 =	sadd.s32 $0xFFFFE003, lr  }
0x1b: {  	s9 =	sadd.s32 $0xFFFFFEF7, lr;
	s5 =	simm.s32 $0xFFFFFFFF;
	p2 =	slt.u32 s8, $0xFFFFF086  }
0x1c: {  	p1 =	slt.u32 s9, $0xF7A;
	s5 =	simm.s32 @!p2 $0x0  }
0x1d: {  	s5 =	simm.s32 @p1 $0x1;
	p0 =	seq.s32 s7, s2  }
0x1e: {  	s7 =	smul.u32 @!p0 $0xF7A, s2;
	p2 =	seq.s32 @!p0 s5, $0x0  }
0x1f: {  	s9 =	smul.u32 $0xF7A, s1;
	s8 =	simm.s32 @!p0 $0x1BF5;
	p2 =	por !p2, p0  }
0x20: {  	[sflag:s8] =	ssyncset.s32 @!p0 $0xFFFFF086;
	s6 =	sadd.s32 @!p0 s3, s7;
	s7 =	simm.s32 @!p0 $0x108  }
0x21: {  	s3 =	sadd.s32 s3, s9;
	s6 =	sadd.s32 @!p0 $0x88, s6;
	s7 =	simm.s32 @p2 $0x1082  }
0x22: {  	[simem:s7], [sflag:s8] =	dma.local @!p0 [hbm:s6], $0xF7A  }
0x23: {  	s9 =	sor.u32 $0xD0000000, s2;
	s6 =	simm.s32 $0x108;
	_ =	swait.ge @!p0 [sflag:s8], $0x0  }
0x24: {  	s3 =	sadd.s32 $0x88, s3;
	s6 =	simm.s32 @!p1 $0x1082;
	[sflag:s4] =	ssyncset.s32 $0xFFFFF086  }
0x25: {  	[simem:s6], [sflag:s4] =	dma.local [hbm:s3], $0xF7A  }
0x26: {  	[smem:$0x3F93] =	sst s1;
	(tag) =	ssettag s2;
	_ =	strace s9  }
0x27: {  	s1 =	sld [smem:$0x3FA3]  }
0x28: {  	s2 =	sld [smem:$0x3FA4]  }
0x29: {  	s4 =	sld [smem:$0x3FA6]  }
0x2a: {  	p0 =	seq.s32 s5, $0x0;
	s5 =	sld [smem:$0x3FA7]  }
0x2b: {  	s6 =	sld [smem:$0x3FA8]  }
0x2c: {  	s7 =	sld [smem:$0x3FA9]  }
0x2d: {  	s3 =	simm.s32 $0x108;
	s8 =	sld [smem:$0x3FAA]  }
0x2e: {  	s3 =	simm.s32 @!p0 $0x1082;
	s9 =	sld [smem:$0x3FAB]  }
0x2f: {  	lr =	sadd.s32 s0, s3;
	s0 =	sld [smem:$0x3FA2]  }
0x30: {  	s3 =	sld [smem:$0x3FA5]  }
0x31: {  	[smem:$0x3FAE] =	sst s10  }
0x32: {  	s10 =	sld [smem:$0x3FAC];
	_ =	sdelay $0x3  }
0x33: {  	p0 =	seq.s32 s10, $0x1;
	s10 =	sld [smem:$0x3FAE];
	_ =	sdelay $0x3  }
0x34: {  	[smem:$0x3FAE] =	sst s10  }
0x35: {  	s10 =	sld [smem:$0x3FAD];
	_ =	sdelay $0x3  }
0x36: {  	p1 =	seq.s32 s10, $0x1;
	s10 =	sld [smem:$0x3FAE];
	_ =	sdelay $0x3  }
0x37: {  	[smem:$0x3FAE] =	sst s10  }
0x38: {  	s10 =	sld [smem:$0x3FAF]  }
0x39: {  	_ = 	snop;
	(pc) =	sbr.ind lr, $3  }
0x3a: {  	_ = 	snop  }
0x3b: {  	_ = 	snop  }
0x3c: {  	p2 =	seq.s32 s10, $0x1;
	s10 =	sld [smem:$0x3FAE]  }
0x3d: {  	_ =	shalt  }
0x3e: {  	_ =	shalt  }
0x3f: {  	_ =	shalt  }
0x40: {  	_ =	shalt  }
0x41: {  	_ =	shalt  }
0x42: {  	_ =	shalt  }
0x43: {  	_ =	shalt  }
0x44: {  	_ =	shalt  }
0x45: {  	_ =	shalt  }
0x46: {  	_ =	shalt  }
0x47: {  	_ =	shalt  }
0x48: {  	_ =	shalt  }
0x49: {  	_ =	shalt  }
0x4a: {  	_ =	shalt  }
0x4b: {  	_ =	shalt  }
0x4c: {  	_ =	shalt  }
0x4d: {  	_ =	shalt  }
0x4e: {  	_ =	shalt  }
0x4f: {  	_ =	shalt  }
0x50: {  	_ =	shalt  }
0x51: {  	_ =	shalt  }
0x52: {  	_ =	shalt  }
0x53: {  	_ =	shalt  }
0x54: {  	_ =	shalt  }
0x55: {  	_ =	shalt  }
0x56: {  	_ =	shalt  }
0x57: {  	_ =	shalt  }
0x58: {  	_ =	shalt  }
0x59: {  	_ =	shalt  }
0x5a: {  	_ =	shalt  }
0x5b: {  	_ =	shalt  }
0x5c: {  	_ =	shalt  }
0x5d: {  	_ =	shalt  }
0x5e: {  	_ =	shalt  }
0x5f: {  	_ =	shalt  }
0x60: {  	_ =	shalt  }
0x61: {  	_ =	shalt  }
0x62: {  	_ =	shalt  }
0x63: {  	_ =	shalt  }
0x64: {  	_ =	shalt  }
0x65: {  	_ =	shalt  }
0x66: {  	_ =	shalt  }
0x67: {  	_ =	shalt  }
0x68: {  	_ =	shalt  }
0x69: {  	_ =	shalt  }
0x6a: {  	_ =	shalt  }
0x6b: {  	_ =	shalt  }
0x6c: {  	_ =	shalt  }
0x6d: {  	_ =	shalt  }
0x6e: {  	_ =	shalt  }
0x6f: {  	_ =	shalt  }
0x70: {  	_ =	shalt  }
0x71: {  	_ =	shalt  }
0x72: {  	_ =	shalt  }
0x73: {  	_ =	shalt  }
0x74: {  	_ =	shalt  }
0x75: {  	_ =	shalt  }
0x76: {  	_ =	shalt  }
0x77: {  	_ =	shalt  }
0x78: {  	_ =	shalt  }
0x79: {  	_ =	shalt  }
0x7a: {  	_ =	shalt  }
0x7b: {  	_ =	shalt  }
0x7c: {  	_ =	shalt  }
0x7d: {  	_ =	shalt  }
0x7e: {  	_ =	shalt  }
0x7f: {  	_ =	shalt  }
0x80: {  	_ =	shalt  }
0x81: {  	_ =	shalt  }
0x82: {  	_ =	shalt  }
0x83: {  	_ =	shalt  }
0x84: {  	_ =	shalt  }
0x85: {  	_ =	shalt  }
0x86: {  	_ =	shalt  }
0x87: {  	_ =	shalt  }
.Lfunc_end0:
.L_simem_size_0:
called_computation.1_lowered:
.L_overlay_start_0:
0x88: {  	s2 =	sld [smem:$0x3FD9]  }
0x89: {  	s3 =	sld [smem:$0x3FFE];
	_ =	sdelay $0x1  }
0x8a: {  	s1 =	srdreg.scid  }
0x8b: {  	s0 =	sand.u32 $0x1, s1  }
0x8c: {  	s16 =	sshll.u32 s0, $0xA;
	s2 =	sadd.s32 s3, s2  }
0x8d: {  	s2 =	sadd.s32 s2, s16  }
0x8e: {  	[smem:$0x3FBA] =	sst s2  }
0x8f: {  	_ = 	snop  }
0x90: {  	(tm) =	ssettm $0x1  }
0x91: {  	s17 =	sld [smem:$0x3FFB];
	_ =	sdelay $0x3  }
0x92: {  	_ =	strace s17  }
0x93: {  	s2 =	sld [smem:$0x3FFC];
	_ =	sdelay $0x3  }
0x94: {  	_ =	strace s2  }
0x95: {  	s2 =	sld [smem:$0x3FFD];
	_ =	sdelay $0x3  }
0x96: {  	_ =	strace s2  }
0x97: {  	_ =	strace $0x8FFFFFFF  }
0x98: {  	s18 =	sld [smem:$0x3FDB];
	_ =	sdelay $0x1  }
0x99: {  	s19 =	simm.s32 $_scs_section_size  }
0x9a: {  	s4 =	simm.s32 $_size__tile_overlayer_lowered;
	s5 =	simm.s32 $_tile_overlayer_lowered  }
0x9b: {  	s22 =	simm.s32 $0x1BFF;
	s21 =	sshll.u32 s5, $0x1;
	s2 =	sadd.s32 s19, s18  }
0x9c: {  	s6 =	simm.s32 $0x0;
	s20 =	sshll.u32 s4, $0x1;
	s4 =	sadd.s32 s21, s2  }
0x9d: {  	[timem:s6], [sflag:s22] =	dma.local [hbm:s4], s20  }
0x9e: {  	_ =	swait.ge [sflag:s22], s20  }
0x9f: {  	s3 =	ssub.s32 $0x0, s20;
	[sflag:s22] =	ssyncset.done $0x0  }
0xa0: {  	[sflag:s22] =	ssyncadd.s32 s3;
	_ =	sdelay $0x1  }
0xa1: {  	s23 =	simm.s32 $0x1B8B  }
0xa2: {  	_ =	swait.ge [sflag:s23], $0x1  }
0xa3: {  	[sflag:s23] =	ssyncset.done $0x0  }
0xa4: {  	s25 =	simm.s32 $0x1B8E;
	s24 =	sld [smem:$0x3FFE];
	[sflag:s23] =	ssyncadd.s32 $0xFFFFFFFF  }
0xa5: {  	s26 =	simm.s32 $execute0_lowered;
	[smem:$0x3FD2] =	sst s25  }
0xa6: {  	s4 =	sshll.u32 s26, $0x1;
	_ =	strace $0x80000049;
	[dreg:$0x1] =	wrdreg $0xFFFFFFFF  }
0xa7: {  	s28 =	simm.s32 $_size_execute0_lowered;
	s2 =	sadd.s32 s2, s4;
	[dreg:$0x0] =	wrdreg $0x0  }
0xa8: {  	s4 =	sshll.u32 s28, $0x1;
	[dreg:$0x2] =	wrdreg s2  }
0xa9: {  	[dreg:$0x3] =	wrdreg s4  }
0xaa: {  	[dreg:$0x4] =	wrdreg $0xC0  }
0xab: {  	_ =	task [dreg:s6], $0x5FFFF  }
0xac: {  	[dreg:$0x1] =	wrdreg $0xFFFFFFFF  }
0xad: {  	[dreg:$0x0] =	wrdreg $0x60  }
0xae: {  	[dreg:$0x2] =	wrdreg s24  }
0xaf: {  	[dreg:$0x3] =	wrdreg $0x9  }
0xb0: {  	_ =	task.clear_ibuf [dreg:s6], $0x4FFFF;
	_ =	strace $0x90000049  }
0xb1: {  	s29 =	simm.s32 $0x9;
	_ =	strace $0x8000004B  }
0xb2: {  	_ =	swait.ge [sflag:s29], $0x1  }
0xb3: {  	[sflag:s29] =	ssyncadd.s32 $0xFFFFFFFF  }
0xb4: {  	_ =	strace $0x9000004B  }
0xb5: {  	_ =	sfence  }
0xb6: {  	s30 =	sld [smem:$0x0];
	_ =	sdelay $0x2  }
0xb7: {  	s31 =	sshll.u32 s1, $0xD;
	s1 =	sshrl.u32 s1, $0x2  }
0xb8: {  	s3 =	sand.u32 $0x4000, s31;
	s1 =	sadd.s32 s1, s30  }
0xb9: {  	s0 =	sor.u32 s3, s0;
	s1 =	sshll.u32 s1, $0x11  }
0xba: {  	s0 =	sor.u32 s1, s0  }
0xbb: {  	s0 =	sadd.s32 $0x8F2B, s0  }
0xbc: {  	[sflag:s0] =	ssyncadd.remote.s32 $0x1  }
0xbd: {  	_ =	sfence.sel $0xFFFF  }
0xbe: {  	[dreg:$0x0] =	wrdreg $0xFFFFFFFF;
	(pc) =	sbr.abs _section_cstart, $3  }
0xbf: {  	[dreg:$0x1] =	wrdreg $0xFFFFFFFF  }
0xc0: {  	_ =	task.clear_ibuf [dreg:s6], $0x2FFFF;
	_ =	strace $0x9FFFFFFF  }
0xc1: {  	(tm) =	ssettm $0x7FFFFFFF  }
tec
execute0_lowered:
.L_overlay_start_1:
0x0: {  	(tag) =	ssettag $0x1  }
0x1: {  	s1 =	srdreg.scid  }
0x2: {  	s0 =	stileid.u32;
	s6 =	rddreg [dreg:$0x0]  }
0x3: {  	s19 =	simm.s32 $0x880;
	s20 =	simm.s32 $0x1080;
	s21 =	simm.s32 $0x1880  }
0x4: {  	s22 =	simm.s32 $0x2080;
	s23 =	simm.s32 $0x2880;
	s7 =	simm.s32 $0x3080  }
0x5: {  	s24 =	simm.s32 $0x3880;
	s8 =	simm.s32 $0x4080;
	s25 =	simm.s32 $0x4880  }
0x6: {  	s26 =	simm.s32 $0x5080;
	s9 =	simm.s32 $0x80;
	s1 =	sand.u32 $0x1, s1  }
0x7: {  	s11 =	simm.s32 $0x6080;
	s2 =	sshll.u32 s0, $0x7;
	s3 =	sshll.u32 s1, $0x6  }
0x8: {  	s12 =	simm.s32 $0x6880;
	s3 =	sor.u32 s3, s2;
	s2 =	simm.s32 $0x0  }
0x9: {  	s13 =	simm.s32 $0x7080;
	s14 =	simm.s32 $0x7880;
	[smem:$0x7FF] =	sst s2  }
0xa: {  	s15 =	simm.s32 $0x8080;
	_ =	strace $0x8000004A;
	[dreg:$0x4] =	wrdreg s19  }
0xb: {  	s16 =	simm.s32 $0x8880;
	s17 =	simm.s32 $0x9080;
	[dreg:$0x5] =	wrdreg s20  }
0xc: {  	s18 =	simm.s32 $0x9880;
	s28 =	simm.s32 $0xE080;
	[dreg:$0x6] =	wrdreg s21  }
0xd: {  	s29 =	simm.s32 $0xE880;
	s30 =	simm.s32 $0xF080;
	[dreg:$0x7] =	wrdreg s22  }
0xe: {  	s31 =	simm.s32 $0xF880;
	s1 =	ssub.s32 $0x2, s1;
	[dreg:$0x8] =	wrdreg s23  }
0xf: {  	s5 =	sshrl.u32 s1, $0x1;
	s4 =	sshrl.u32 s3, $0x3;
	[dreg:$0x9] =	wrdreg s7  }
0x10: {  	s3 =	sshll.u32 s3, $0x7;
	s1 =	ssub.s32 s1, s5;
	[dreg:$0xa] =	wrdreg s24  }
0x11: {  	s5 =	sadd.s32 $0x7C600, s6;
	s4 =	sadd.s32 s4, s6;
	[dreg:$0xb] =	wrdreg s8  }
0x12: {  	s3 =	sadd.s32 s3, s6;
	s7 =	smax.u32 s1, $0x1;
	[dreg:$0xc] =	wrdreg s25  }
0x13: {  	s8 =	simm.s32 $0x2;
	[dreg:$0xd] =	wrdreg s26;
	s19 =	simm.s32 $0xA080  }
0x14: {  	s20 =	simm.s32 $0xA880;
	s21 =	simm.s32 $0xB080;
	s22 =	simm.s32 $0xB880  }
0x15: {  	s23 =	simm.s32 $0xC080;
	s24 =	simm.s32 $0xC880;
	s4 =	sadd.s32 $0x2600, s4  }
0x16: {  	v2 =	vlaneseq.u32;
	s25 =	simm.s32 $0xD080;
	s3 =	sadd.s32 $0x2800, s3;
	[dreg:$0x2] =	wrdreg s4  }
0x17: {  	vm0 =	vmmov $0xffff;
	v1 =	vshrl.u32 v2, $0x3;
	s26 =	simm.s32 $0xD880;
	s1 =	simm.s32 $0x1;
	[dreg:$0x3] =	wrdreg s3  }
0x18: {  	v0 =	vand.u32 $0x7, v2;
	v2 =	vor.u32 $0x8, v2;
	v1 =	vmul.u32 $0x8, v1;
	s3 =	sadd.s32 $0x7C400, s6;
	s4 =	sadd.s32 $0x7C500, s6;
	s6 =	sadd.s32 $0x7C700, s6  }
.LBB2_1:
0x19: {  	s0 =	rddreg [dreg:$0x2]  }
0x1a: {  	[tilespmem:s2], [sflag:$0x2] =	stream.linear.gather [hbm4b:s0+s2], $0x40, $0x38;
	[tilespmem:$0x10080] =	vst v63  }
0x1b: {  	_ =	swait.ge [sflag:s8], $0x40  }
0x1c: {  	[sflag:s8] =	ssyncset.done $0x0  }
0x1d: {  	[sflag:s8] =	ssyncadd.s32 $0xFFFFFFC0  }
0x1e: {  	v3 =	vld [tilespmem:$0x0];
	_ =	sdelay $0x4  }
0x1f: {  	v4 =	vshll.u32 v3, $0x3  }
0x20: {  	v3 =	vand.u32 $0x7, v3;
	v4 =	vand.u32 $0xFFFFFFC0, v4  }
0x21: {  	v3 =	vor.u32 v3, v4  }
0x22: {  	v4 =	vperm.xlane v3, v0;
	_ =	sdelay $0x1  }
0x23: {  	v4 =	vadd.s32 v1, v4;
	_ =	sdelay $0x4  }
0x24: {  	[tilespmem:s9], [sflag:$0x1] =	stream.indirect_vreg.gather [hbm4b:s3+s2], $0x80, v4, vm0, $0xb8;
	[tilespmem:$0x10080] =	vst v63  }
0x25: {  	s0 =	rddreg [dreg:$0x4];
	v3 =	vperm.xlane v3, v2  }
0x26: {  	[tilespmem:s0], [sflag:$0x1] =	stream.indirect_vreg.gather [hbm4b:s4+s2], $0x80, v4, vm0, $0xb8;
	[tilespmem:$0x10080] =	vst v63  }
0x27: {  	s10 =	rddreg [dreg:$0x5];
	v3 =	vadd.s32 v1, v3  }
0x28: {  	[tilespmem:s10], [sflag:$0x1] =	stream.indirect_vreg.gather [hbm4b:s5+s2], $0x80, v4, vm0, $0xb8;
	[tilespmem:$0x10080] =	vst v63  }
0x29: {  	s0 =	rddreg [dreg:$0x6]  }
0x2a: {  	[tilespmem:s0], [sflag:$0x1] =	stream.indirect_vreg.gather [hbm4b:s6+s2], $0x80, v4, vm0, $0xb8;
	[tilespmem:$0x10080] =	vst v63  }
0x2b: {  	s10 =	rddreg [dreg:$0x7]  }
0x2c: {  	[tilespmem:s10], [sflag:$0x1] =	stream.indirect_vreg.gather [hbm4b:s3+s2], $0x80, v3, vm0, $0xb8;
	[tilespmem:$0x10080] =	vst v63  }
0x2d: {  	s0 =	rddreg [dreg:$0x8]  }
0x2e: {  	[tilespmem:s0], [sflag:$0x1] =	stream.indirect_vreg.gather [hbm4b:s4+s2], $0x80, v3, vm0, $0xb8;
	[tilespmem:$0x10080] =	vst v63  }
0x2f: {  	s10 =	rddreg [dreg:$0x9]  }
0x30: {  	[tilespmem:s10], [sflag:$0x1] =	stream.indirect_vreg.gather [hbm4b:s5+s2], $0x80, v3, vm0, $0xb8;
	[tilespmem:$0x10080] =	vst v63  }
0x31: {  	s0 =	rddreg [dreg:$0xa]  }
0x32: {  	[tilespmem:s0], [sflag:$0x1] =	stream.indirect_vreg.gather [hbm4b:s6+s2], $0x80, v3, vm0, $0xb8;
	[tilespmem:$0x10080] =	vst v63  }
0x33: {  	v3 =	vld [tilespmem:$0x10];
	_ =	sdelay $0x4  }
0x34: {  	v61 =	vshll.u32 v3, $0x3  }
0x35: {  	v3 =	vand.u32 $0x7, v3;
	v4 =	vand.u32 $0xFFFFFFC0, v61  }
0x36: {  	v3 =	vor.u32 v3, v4  }
0x37: {  	v4 =	vperm.xlane v3, v0;
	_ =	sdelay $0x1  }
0x38: {  	v4 =	vadd.s32 v1, v4;
	_ =	sdelay $0x3  }
0x39: {  	s0 =	rddreg [dreg:$0xb]  }
0x3a: {  	[tilespmem:s0], [sflag:$0x1] =	stream.indirect_vreg.gather [hbm4b:s3+s2], $0x80, v4, vm0, $0xb8;
	[tilespmem:$0x10080] =	vst v63  }
0x3b: {  	s10 =	rddreg [dreg:$0xc];
	v3 =	vperm.xlane v3, v2  }
0x3c: {  	[tilespmem:s10], [sflag:$0x1] =	stream.indirect_vreg.gather [hbm4b:s4+s2], $0x80, v4, vm0, $0xb8;
	[tilespmem:$0x10080] =	vst v63  }
0x3d: {  	v3 =	vadd.s32 v1, v3;
	s0 =	rddreg [dreg:$0xd]  }
0x3e: {  	[tilespmem:s0], [sflag:$0x1] =	stream.indirect_vreg.gather [hbm4b:s5+s2], $0x80, v4, vm0, $0xb8;
	[tilespmem:$0x10080] =	vst v63  }
0x3f: {  	s10 =	simm.s32 $0x5880  }
0x40: {  	[tilespmem:s10], [sflag:$0x1] =	stream.indirect_vreg.gather [hbm4b:s6+s2], $0x80, v4, vm0, $0xb8;
	[tilespmem:$0x10080] =	vst v63  }
0x41: {  	_ = 	snop  }
0x42: {  	[tilespmem:s11], [sflag:$0x1] =	stream.indirect_vreg.gather [hbm4b:s3+s2], $0x80, v3, vm0, $0xb8;
	[tilespmem:$0x10080] =	vst v63  }
0x43: {  	_ = 	snop  }
0x44: {  	[tilespmem:s12], [sflag:$0x1] =	stream.indirect_vreg.gather [hbm4b:s4+s2], $0x80, v3, vm0, $0xb8;
	[tilespmem:$0x10080] =	vst v63  }
0x45: {  	_ = 	snop  }
0x46: {  	[tilespmem:s13], [sflag:$0x1] =	stream.indirect_vreg.gather [hbm4b:s5+s2], $0x80, v3, vm0, $0xb8;
	[tilespmem:$0x10080] =	vst v63  }
0x47: {  	_ = 	snop  }
0x48: {  	[tilespmem:s14], [sflag:$0x1] =	stream.indirect_vreg.gather [hbm4b:s6+s2], $0x80, v3, vm0, $0xb8;
	[tilespmem:$0x10080] =	vst v63  }
0x49: {  	v3 =	vld [tilespmem:$0x20];
	_ =	sdelay $0x4  }
0x4a: {  	v62 =	vshll.u32 v3, $0x3  }
0x4b: {  	v3 =	vand.u32 $0x7, v3;
	v4 =	vand.u32 $0xFFFFFFC0, v62  }
0x4c: {  	v3 =	vor.u32 v3, v4  }
0x4d: {  	v4 =	vperm.xlane v3, v0;
	_ =	sdelay $0x1  }
0x4e: {  	v4 =	vadd.s32 v1, v4;
	_ =	sdelay $0x4  }
0x4f: {  	[tilespmem:s15], [sflag:$0x1] =	stream.indirect_vreg.gather [hbm4b:s3+s2], $0x80, v4, vm0, $0xb8;
	[tilespmem:$0x10080] =	vst v63  }
0x50: {  	v3 =	vperm.xlane v3, v2  }
0x51: {  	[tilespmem:s16], [sflag:$0x1] =	stream.indirect_vreg.gather [hbm4b:s4+s2], $0x80, v4, vm0, $0xb8;
	[tilespmem:$0x10080] =	vst v63  }
0x52: {  	v3 =	vadd.s32 v1, v3  }
0x53: {  	[tilespmem:s17], [sflag:$0x1] =	stream.indirect_vreg.gather [hbm4b:s5+s2], $0x80, v4, vm0, $0xb8;
	[tilespmem:$0x10080] =	vst v63  }
0x54: {  	_ = 	snop  }
0x55: {  	[tilespmem:s18], [sflag:$0x1] =	stream.indirect_vreg.gather [hbm4b:s6+s2], $0x80, v4, vm0, $0xb8;
	[tilespmem:$0x10080] =	vst v63  }
0x56: {  	_ = 	snop  }
0x57: {  	[tilespmem:s19], [sflag:$0x1] =	stream.indirect_vreg.gather [hbm4b:s3+s2], $0x80, v3, vm0, $0xb8;
	[tilespmem:$0x10080] =	vst v63  }
0x58: {  	_ = 	snop  }
0x59: {  	[tilespmem:s20], [sflag:$0x1] =	stream.indirect_vreg.gather [hbm4b:s4+s2], $0x80, v3, vm0, $0xb8;
	[tilespmem:$0x10080] =	vst v63  }
0x5a: {  	_ = 	snop  }
0x5b: {  	[tilespmem:s21], [sflag:$0x1] =	stream.indirect_vreg.gather [hbm4b:s5+s2], $0x80, v3, vm0, $0xb8;
	[tilespmem:$0x10080] =	vst v63  }
0x5c: {  	_ = 	snop  }
0x5d: {  	[tilespmem:s22], [sflag:$0x1] =	stream.indirect_vreg.gather [hbm4b:s6+s2], $0x80, v3, vm0, $0xb8;
	[tilespmem:$0x10080] =	vst v63  }
0x5e: {  	v3 =	vld [tilespmem:$0x30];
	_ =	sdelay $0x4  }
0x5f: {  	v63 =	vshll.u32 v3, $0x3  }
0x60: {  	v3 =	vand.u32 $0x7, v3;
	v4 =	vand.u32 $0xFFFFFFC0, v63  }
0x61: {  	v3 =	vor.u32 v3, v4  }
0x62: {  	v4 =	vperm.xlane v3, v0;
	_ =	sdelay $0x1  }
0x63: {  	v4 =	vadd.s32 v1, v4;
	_ =	sdelay $0x4  }
0x64: {  	[tilespmem:s23], [sflag:$0x1] =	stream.indirect_vreg.gather [hbm4b:s3+s2], $0x80, v4, vm0, $0xb8;
	[tilespmem:$0x10080] =	vst v63  }
0x65: {  	v3 =	vperm.xlane v3, v2  }
0x66: {  	[tilespmem:s24], [sflag:$0x1] =	stream.indirect_vreg.gather [hbm4b:s4+s2], $0x80, v4, vm0, $0xb8;
	[tilespmem:$0x10080] =	vst v63  }
0x67: {  	v3 =	vadd.s32 v1, v3  }
0x68: {  	[tilespmem:s25], [sflag:$0x1] =	stream.indirect_vreg.gather [hbm4b:s5+s2], $0x80, v4, vm0, $0xb8;
	[tilespmem:$0x10080] =	vst v63  }
0x69: {  	_ = 	snop  }
0x6a: {  	[tilespmem:s26], [sflag:$0x1] =	stream.indirect_vreg.gather [hbm4b:s6+s2], $0x80, v4, vm0, $0xb8;
	[tilespmem:$0x10080] =	vst v63  }
0x6b: {  	_ = 	snop  }
0x6c: {  	[tilespmem:s28], [sflag:$0x1] =	stream.indirect_vreg.gather [hbm4b:s3+s2], $0x80, v3, vm0, $0xb8;
	[tilespmem:$0x10080] =	vst v63  }
0x6d: {  	_ = 	snop  }
0x6e: {  	[tilespmem:s29], [sflag:$0x1] =	stream.indirect_vreg.gather [hbm4b:s4+s2], $0x80, v3, vm0, $0xb8;
	[tilespmem:$0x10080] =	vst v63  }
0x6f: {  	_ = 	snop  }
0x70: {  	[tilespmem:s30], [sflag:$0x1] =	stream.indirect_vreg.gather [hbm4b:s5+s2], $0x80, v3, vm0, $0xb8;
	[tilespmem:$0x10080] =	vst v63  }
0x71: {  	_ = 	snop  }
0x72: {  	[tilespmem:s31], [sflag:$0x1] =	stream.indirect_vreg.gather [hbm4b:s6+s2], $0x80, v3, vm0, $0xb8;
	[tilespmem:$0x10080] =	vst v63  }
0x73: {  	_ =	swait.ge [sflag:s1], $0x10000  }
0x74: {  	p0 =	sne.s32 s7, $0x1;
	[sflag:s1] =	ssyncset.done $0x0  }
.Ltmp0:
0x75: {  	s10 =	rddreg [dreg:$0x3];
	[sflag:s1] =	ssyncadd.s32 $0xFFFF0000;
	(pc) =	sbr.rel @p0 .LBB2_1-.Ltmp0, $4  }
0x76: {  	[hbm4b:s10+s2] =	stream.linear.scatter [tilespmem:s9], [sflag:$0x2], $0x10000, $0x38;
	[tilespmem:$0x10080] =	vst v63  }
0x77: {  	_ =	swait.ge [sflag:s8], $0x10000  }
0x78: {  	[sflag:s8] =	ssyncset.done $0x0  }
0x79: {  	s7 =	sadd.s32 $0xFFFFFFFF, s7;
	[sflag:s8] =	ssyncadd.s32 $0xFFFF0000  }
0x7a: {  	_ =	sfence.sel $0x180000  }
0x7b: {  	[bflag:$0x0] =	sbarrier.arrive $0xFFFF  }
0x7c: {  	_ =	strace $0x9000004A  }
0x7d: {  	s0 =	stileid.u32;
	[bflag:$0x2] =	sbarrier.arrive $0xFFFF  }
0x7e: {  	p0 =	sne.s32 s0, $0x0;
	s0 =	rddreg [dreg:$0x1]  }
0x7f: {  	s0 =	sadd.s32 @!p0 $0x100000, s0  }
0x80: {  	[sflag:s0] =	ssyncadd.tile.s32 @!p0 $0x1;
	_ =	shalt  }
.Lfunc_end2:
_tile_overlayer_lowered:
.L_overlay_start_2:
0x81: {  	(tag) =	ssettag $0x2  }
0x82: {  	s0 =	rddreg [dreg:$0x0];
	s2 =	stileid.u32  }
0x83: {  	s1 =	rddreg [dreg:$0x1];
	p0 =	sne.s32 s2, $0x0  }
0x84: {  	s3 =	rddreg [dreg:$0x2];
	[bflag:$0x3] =	sbarrier.arrive $0xFFFF;
	s2 =	simm.s32 @!p0 $0x1C02  }
0x85: {  	[timem:s3], [sflag:s2] =	dma.local @!p0 [hbm:s0], s1  }
0x86: {  	s0 =	simm.s32 @!p0 $0x2  }
0x87: {  	_ =	swait.ge @!p0 [sflag:s0], s1  }
0x88: {  	s1 =	ssub.s32 @!p0 $0x0, s1;
	[sflag:s0] =	ssyncset.done @!p0 $0x0  }
0x89: {  	[sflag:s0] =	ssyncadd.s32 @!p0 s1  }
0x8a: {  	[bflag:$0x3] =	sbarrier.arrive $0xFFFF  }
0x8b: {  	_ =	shalt  }

// kernel: kernel.9.cloned.1.call-start
scs
__scs_entry_jumppad:
0x0: {  	(pc) =	sbr.rel $0x88, $3  }
0x1: {  	(tag) =	ssettag $0x0;
	lr =	simm.s32 $0x1  }
0x2: {  	[smem:$0x3F93] =	sst lr;
	_ =	strace $0xD0000000  }
0x3: {  	_ = 	snop  }
0x4: {  	_ = 	snop  }
0x5: {  	_ = 	snop  }
0x6: {  	_ = 	snop  }
0x7: {  	_ = 	snop  }
__scs_overlays_trampoline_lowered:
0x8: {  	[smem:$0x3FA2] =	sst s0  }
0x9: {  	[smem:$0x3FA3] =	sst s1  }
0xa: {  	[smem:$0x3FA4] =	sst s2  }
0xb: {  	[smem:$0x3FA5] =	sst s3  }
0xc: {  	[smem:$0x3FA6] =	sst s4  }
0xd: {  	[smem:$0x3FA7] =	sst s5  }
0xe: {  	[smem:$0x3FA8] =	sst s6  }
0xf: {  	[smem:$0x3FA9] =	sst s7  }
0x10: {  	[smem:$0x3FAA] =	sst s8  }
0x11: {  	[smem:$0x3FAB] =	sst s9;
	s0 =	simm.s32 @!p0 $0x0  }
0x12: {  	s1 =	sld [smem:$0x3F91];
	s0 =	simm.s32 @p0 $0x1  }
0x13: {  	[smem:$0x3FAC] =	sst s0;
	s0 =	simm.s32 @!p1 $0x0  }
0x14: {  	s2 =	sld [smem:$0x3F90];
	s0 =	simm.s32 @p1 $0x1  }
0x15: {  	[smem:$0x3FAD] =	sst s0;
	s0 =	simm.s32 @!p2 $0x0  }
0x16: {  	s3 =	sld [smem:$0x3FDB];
	s0 =	simm.s32 @p2 $0x1  }
0x17: {  	s4 =	simm.s32 $0x1BF5;
	[smem:$0x3FAF] =	sst s0  }
0x18: {  	s0 =	sld [smem:$0x3F92];
	_ =	swait.ge [sflag:s4], $0x0  }
0x19: {  	s7 =	sld [smem:$0x3F93]  }
0x1a: {  	s8 =	sadd.s32 $0xFFFFE003, lr  }
0x1b: {  	s9 =	sadd.s32 $0xFFFFFEF7, lr;
	s5 =	simm.s32 $0xFFFFFFFF;
	p2 =	slt.u32 s8, $0xFFFFF086  }
0x1c: {  	p1 =	slt.u32 s9, $0xF7A;
	s5 =	simm.s32 @!p2 $0x0  }
0x1d: {  	s5 =	simm.s32 @p1 $0x1;
	p0 =	seq.s32 s7, s2  }
0x1e: {  	s7 =	smul.u32 @!p0 $0xF7A, s2;
	p2 =	seq.s32 @!p0 s5, $0x0  }
0x1f: {  	s9 =	smul.u32 $0xF7A, s1;
	s8 =	simm.s32 @!p0 $0x1BF5;
	p2 =	por !p2, p0  }
0x20: {  	[sflag:s8] =	ssyncset.s32 @!p0 $0xFFFFF086;
	s6 =	sadd.s32 @!p0 s3, s7;
	s7 =	simm.s32 @!p0 $0x108  }
0x21: {  	s3 =	sadd.s32 s3, s9;
	s6 =	sadd.s32 @!p0 $0x88, s6;
	s7 =	simm.s32 @p2 $0x1082  }
0x22: {  	[simem:s7], [sflag:s8] =	dma.local @!p0 [hbm:s6], $0xF7A  }
0x23: {  	s9 =	sor.u32 $0xD0000000, s2;
	s6 =	simm.s32 $0x108;
	_ =	swait.ge @!p0 [sflag:s8], $0x0  }
0x24: {  	s3 =	sadd.s32 $0x88, s3;
	s6 =	simm.s32 @!p1 $0x1082;
	[sflag:s4] =	ssyncset.s32 $0xFFFFF086  }
0x25: {  	[simem:s6], [sflag:s4] =	dma.local [hbm:s3], $0xF7A  }
0x26: {  	[smem:$0x3F93] =	sst s1;
	(tag) =	ssettag s2;
	_ =	strace s9  }
0x27: {  	s1 =	sld [smem:$0x3FA3]  }
0x28: {  	s2 =	sld [smem:$0x3FA4]  }
0x29: {  	s4 =	sld [smem:$0x3FA6]  }
0x2a: {  	p0 =	seq.s32 s5, $0x0;
	s5 =	sld [smem:$0x3FA7]  }
0x2b: {  	s6 =	sld [smem:$0x3FA8]  }
0x2c: {  	s7 =	sld [smem:$0x3FA9]  }
0x2d: {  	s3 =	simm.s32 $0x108;
	s8 =	sld [smem:$0x3FAA]  }
0x2e: {  	s3 =	simm.s32 @!p0 $0x1082;
	s9 =	sld [smem:$0x3FAB]  }
0x2f: {  	lr =	sadd.s32 s0, s3;
	s0 =	sld [smem:$0x3FA2]  }
0x30: {  	s3 =	sld [smem:$0x3FA5]  }
0x31: {  	[smem:$0x3FAE] =	sst s10  }
0x32: {  	s10 =	sld [smem:$0x3FAC];
	_ =	sdelay $0x3  }
0x33: {  	p0 =	seq.s32 s10, $0x1;
	s10 =	sld [smem:$0x3FAE];
	_ =	sdelay $0x3  }
0x34: {  	[smem:$0x3FAE] =	sst s10  }
0x35: {  	s10 =	sld [smem:$0x3FAD];
	_ =	sdelay $0x3  }
0x36: {  	p1 =	seq.s32 s10, $0x1;
	s10 =	sld [smem:$0x3FAE];
	_ =	sdelay $0x3  }
0x37: {  	[smem:$0x3FAE] =	sst s10  }
0x38: {  	s10 =	sld [smem:$0x3FAF]  }
0x39: {  	_ = 	snop;
	(pc) =	sbr.ind lr, $3  }
0x3a: {  	_ = 	snop  }
0x3b: {  	_ = 	snop  }
0x3c: {  	p2 =	seq.s32 s10, $0x1;
	s10 =	sld [smem:$0x3FAE]  }
0x3d: {  	_ =	shalt  }
0x3e: {  	_ =	shalt  }
0x3f: {  	_ =	shalt  }
0x40: {  	_ =	shalt  }
0x41: {  	_ =	shalt  }
0x42: {  	_ =	shalt  }
0x43: {  	_ =	shalt  }
0x44: {  	_ =	shalt  }
0x45: {  	_ =	shalt  }
0x46: {  	_ =	shalt  }
0x47: {  	_ =	shalt  }
0x48: {  	_ =	shalt  }
0x49: {  	_ =	shalt  }
0x4a: {  	_ =	shalt  }
0x4b: {  	_ =	shalt  }
0x4c: {  	_ =	shalt  }
0x4d: {  	_ =	shalt  }
0x4e: {  	_ =	shalt  }
0x4f: {  	_ =	shalt  }
0x50: {  	_ =	shalt  }
0x51: {  	_ =	shalt  }
0x52: {  	_ =	shalt  }
0x53: {  	_ =	shalt  }
0x54: {  	_ =	shalt  }
0x55: {  	_ =	shalt  }
0x56: {  	_ =	shalt  }
0x57: {  	_ =	shalt  }
0x58: {  	_ =	shalt  }
0x59: {  	_ =	shalt  }
0x5a: {  	_ =	shalt  }
0x5b: {  	_ =	shalt  }
0x5c: {  	_ =	shalt  }
0x5d: {  	_ =	shalt  }
0x5e: {  	_ =	shalt  }
0x5f: {  	_ =	shalt  }
0x60: {  	_ =	shalt  }
0x61: {  	_ =	shalt  }
0x62: {  	_ =	shalt  }
0x63: {  	_ =	shalt  }
0x64: {  	_ =	shalt  }
0x65: {  	_ =	shalt  }
0x66: {  	_ =	shalt  }
0x67: {  	_ =	shalt  }
0x68: {  	_ =	shalt  }
0x69: {  	_ =	shalt  }
0x6a: {  	_ =	shalt  }
0x6b: {  	_ =	shalt  }
0x6c: {  	_ =	shalt  }
0x6d: {  	_ =	shalt  }
0x6e: {  	_ =	shalt  }
0x6f: {  	_ =	shalt  }
0x70: {  	_ =	shalt  }
0x71: {  	_ =	shalt  }
0x72: {  	_ =	shalt  }
0x73: {  	_ =	shalt  }
0x74: {  	_ =	shalt  }
0x75: {  	_ =	shalt  }
0x76: {  	_ =	shalt  }
0x77: {  	_ =	shalt  }
0x78: {  	_ =	shalt  }
0x79: {  	_ =	shalt  }
0x7a: {  	_ =	shalt  }
0x7b: {  	_ =	shalt  }
0x7c: {  	_ =	shalt  }
0x7d: {  	_ =	shalt  }
0x7e: {  	_ =	shalt  }
0x7f: {  	_ =	shalt  }
0x80: {  	_ =	shalt  }
0x81: {  	_ =	shalt  }
0x82: {  	_ =	shalt  }
0x83: {  	_ =	shalt  }
0x84: {  	_ =	shalt  }
0x85: {  	_ =	shalt  }
0x86: {  	_ =	shalt  }
0x87: {  	_ =	shalt  }
.Lfunc_end0:
.L_simem_size_0:
called_computation_lowered:
.L_overlay_start_0:
0x88: {  	s2 =	sld [smem:$0x3FD9]  }
0x89: {  	s3 =	sld [smem:$0x3FFE];
	_ =	sdelay $0x1  }
0x8a: {  	s1 =	srdreg.scid  }
0x8b: {  	s0 =	sand.u32 $0x1, s1  }
0x8c: {  	s17 =	sshll.u32 s0, $0xA;
	s2 =	sadd.s32 s3, s2  }
0x8d: {  	s2 =	sadd.s32 s2, s17  }
0x8e: {  	[smem:$0x3FBA] =	sst s2  }
0x8f: {  	_ = 	snop  }
0x90: {  	s2 =	sld [smem:$0x3FD0];
	(tm) =	ssettm $0x1  }
0x91: {  	s18 =	sld [smem:$0x3FFB];
	_ =	sdelay $0x3  }
0x92: {  	_ =	strace s18  }
0x93: {  	s3 =	sld [smem:$0x3FFC];
	_ =	sdelay $0x3  }
0x94: {  	_ =	strace s3  }
0x95: {  	s3 =	sld [smem:$0x3FFD];
	_ =	sdelay $0x3  }
0x96: {  	_ =	strace s3  }
0x97: {  	_ =	strace $0x8FFFFFFF  }
0x98: {  	s19 =	sld [smem:$0x3FDB];
	_ =	sdelay $0x1  }
0x99: {  	s4 =	simm.s32 $_scs_section_size  }
0x9a: {  	s5 =	simm.s32 $_size__tile_overlayer_lowered;
	s6 =	simm.s32 $_tile_overlayer_lowered  }
0x9b: {  	s22 =	simm.s32 $0x1BFF;
	s21 =	sshll.u32 s6, $0x1;
	s3 =	sadd.s32 s4, s19  }
0x9c: {  	s7 =	simm.s32 $0x0;
	s20 =	sshll.u32 s5, $0x1;
	s5 =	sadd.s32 s21, s3  }
0x9d: {  	[timem:s7], [sflag:s22] =	dma.local [hbm:s5], s20  }
0x9e: {  	_ =	swait.ge [sflag:s22], s20  }
0x9f: {  	s4 =	ssub.s32 $0x0, s20;
	[sflag:s22] =	ssyncset.done $0x0  }
0xa0: {  	[sflag:s22] =	ssyncadd.s32 s4;
	_ =	sdelay $0x1  }
0xa1: {  	s23 =	simm.s32 $0x1B8B  }
0xa2: {  	_ =	swait.ge [sflag:s23], $0x1  }
0xa3: {  	[sflag:s23] =	ssyncset.done $0x0  }
0xa4: {  	s25 =	simm.s32 $0x1B8E;
	s24 =	sld [smem:$0x3FFE];
	[sflag:s23] =	ssyncadd.s32 $0xFFFFFFFF  }
0xa5: {  	s26 =	simm.s32 $execute0_lowered;
	[smem:$0x3FD2] =	sst s25  }
0xa6: {  	s5 =	sshll.u32 s26, $0x1;
	_ =	strace $0x80000046;
	[dreg:$0x1] =	wrdreg $0xFFFFFFFF  }
0xa7: {  	s28 =	simm.s32 $_size_execute0_lowered;
	s3 =	sadd.s32 s3, s5;
	[dreg:$0x0] =	wrdreg $0x0  }
0xa8: {  	s5 =	sshll.u32 s28, $0x1;
	[dreg:$0x2] =	wrdreg s3  }
0xa9: {  	[dreg:$0x3] =	wrdreg s5  }
0xaa: {  	[dreg:$0x4] =	wrdreg $0xC0  }
0xab: {  	_ =	task [dreg:s7], $0x5FFFF  }
0xac: {  	[dreg:$0x1] =	wrdreg $0xFFFFFFFF  }
0xad: {  	[dreg:$0x0] =	wrdreg $0x60  }
0xae: {  	[dreg:$0x2] =	wrdreg s24  }
0xaf: {  	[dreg:$0x3] =	wrdreg s2  }
0xb0: {  	[dreg:$0x4] =	wrdreg $0x9  }
0xb1: {  	_ =	task.clear_ibuf [dreg:s7], $0x5FFFF;
	_ =	strace $0x90000046  }
0xb2: {  	s29 =	simm.s32 $0x9;
	_ =	strace $0x80000048  }
0xb3: {  	_ =	swait.ge [sflag:s29], $0x1  }
0xb4: {  	[sflag:s29] =	ssyncadd.s32 $0xFFFFFFFF  }
0xb5: {  	_ =	strace $0x90000048  }
0xb6: {  	_ =	sfence  }
0xb7: {  	s30 =	sld [smem:$0x0];
	_ =	sdelay $0x2  }
0xb8: {  	s31 =	sshll.u32 s1, $0xD;
	s1 =	sshrl.u32 s1, $0x2  }
0xb9: {  	s3 =	sand.u32 $0x4000, s31;
	s1 =	sadd.s32 s1, s30  }
0xba: {  	s0 =	sor.u32 s3, s0;
	s1 =	sshll.u32 s1, $0x11  }
0xbb: {  	s0 =	sor.u32 s1, s0  }
0xbc: {  	s0 =	sadd.s32 $0x8F2B, s0  }
0xbd: {  	[sflag:s0] =	ssyncadd.remote.s32 $0x1  }
0xbe: {  	_ =	sfence.sel $0xFFFF  }
0xbf: {  	[dreg:$0x0] =	wrdreg $0xFFFFFFFF;
	(pc) =	sbr.abs _section_cstart, $3  }
0xc0: {  	[dreg:$0x1] =	wrdreg $0xFFFFFFFF  }
0xc1: {  	_ =	task.clear_ibuf [dreg:s7], $0x2FFFF;
	_ =	strace $0x9FFFFFFF  }
0xc2: {  	(tm) =	ssettm $0x7FFFFFFF  }
0xc3: {  	_ =	shalt  }
tec
execute0_lowered:
.L_overlay_start_1:
0x0: {  	(tag) =	ssettag $0x1  }
0x1: {  	s1 =	srdreg.scid  }
0x2: {  	s0 =	stileid.u32;
	s6 =	rddreg [dreg:$0x0]  }
0x3: {  	s4 =	rddreg [dreg:$0x1];
	s18 =	simm.s32 $0x880;
	s19 =	simm.s32 $0x1080  }
0x4: {  	s20 =	simm.s32 $0x1880;
	s22 =	simm.s32 $0x2080;
	s23 =	simm.s32 $0x2880  }
0x5: {  	s7 =	simm.s32 $0x3080;
	s24 =	simm.s32 $0x3880;
	s8 =	simm.s32 $0x4080  }
0x6: {  	s25 =	simm.s32 $0x4880;
	s26 =	simm.s32 $0x5080;
	s1 =	sand.u32 $0x1, s1  }
0x7: {  	s9 =	simm.s32 $0x80;
	s2 =	sshll.u32 s0, $0x7;
	s3 =	sshll.u32 s1, $0x6  }
0x8: {  	s11 =	simm.s32 $0x6080;
	s3 =	sor.u32 s3, s2;
	s2 =	simm.s32 $0x0  }
0x9: {  	s12 =	simm.s32 $0x6880;
	s13 =	simm.s32 $0x7080;
	[smem:$0x7FF] =	sst s2  }
0xa: {  	s14 =	simm.s32 $0x7880;
	_ =	strace $0x80000047;
	[dreg:$0x5] =	wrdreg s18  }
0xb: {  	s15 =	simm.s32 $0x8080;
	s16 =	simm.s32 $0x8880;
	[dreg:$0x6] =	wrdreg s19  }
0xc: {  	s17 =	simm.s32 $0x9080;
	s28 =	simm.s32 $0xE080;
	[dreg:$0x7] =	wrdreg s20  }
0xd: {  	s29 =	simm.s32 $0xE880;
	s30 =	simm.s32 $0xF080;
	[dreg:$0x8] =	wrdreg s22  }
0xe: {  	s31 =	simm.s32 $0xF880;
	s1 =	ssub.s32 $0x2, s1;
	[dreg:$0x9] =	wrdreg s23  }
0xf: {  	s21 =	sshrl.u32 s1, $0x1;
	s5 =	sshrl.u32 s3, $0x3;
	[dreg:$0xa] =	wrdreg s7  }
0x10: {  	s3 =	sshll.u32 s3, $0x7;
	s1 =	ssub.s32 s1, s21;
	[dreg:$0xb] =	wrdreg s24  }
0x11: {  	s21 =	simm.s32 $0xB080;
	s5 =	sadd.s32 s5, s6;
	[dreg:$0xc] =	wrdreg s8  }
0x12: {  	s3 =	sadd.s32 s4, s3;
	s4 =	sadd.s32 $0x2900, s6;
	[dreg:$0xd] =	wrdreg s25  }
0x13: {  	s7 =	smax.u32 s1, $0x1;
	s8 =	simm.s32 $0x2;
	[dreg:$0xe] =	wrdreg s26  }
0x14: {  	s18 =	simm.s32 $0x9880;
	s19 =	simm.s32 $0xA080;
	s20 =	simm.s32 $0xA880  }
0x15: {  	s22 =	simm.s32 $0xB880;
	s23 =	simm.s32 $0xC080;
	s24 =	simm.s32 $0xC880  }
0x16: {  	v2 =	vlaneseq.u32;
	s25 =	simm.s32 $0xD080;
	s26 =	simm.s32 $0xD880;
	s1 =	simm.s32 $0x1  }
0x17: {  	vm0 =	vmmov $0xffff;
	v1 =	vshrl.u32 v2, $0x3;
	s5 =	sadd.s32 $0x2600, s5;
	[dreg:$0x4] =	wrdreg s3;
	s3 =	sadd.s32 $0x2800, s6  }
0x18: {  	v0 =	vand.u32 $0x7, v2;
	v2 =	vor.u32 $0x8, v2;
	v1 =	vmul.u32 $0x8, v1;
	[dreg:$0x3] =	wrdreg s5;
	s5 =	sadd.s32 $0x2A00, s6;
	s6 =	sadd.s32 $0x2B00, s6  }
.LBB2_1:
0x19: {  	s0 =	rddreg [dreg:$0x3]  }
0x1a: {  	[tilespmem:s2], [sflag:$0x2] =	stream.linear.gather [hbm4b:s0+s2], $0x40, $0x38;
	[tilespmem:$0x10080] =	vst v63  }
0x1b: {  	_ =	swait.ge [sflag:s8], $0x40  }
0x1c: {  	[sflag:s8] =	ssyncset.done $0x0  }
0x1d: {  	s10 =	rddreg [dreg:$0x4];
	[sflag:s8] =	ssyncadd.s32 $0xFFFFFFC0  }
0x1e: {  	[tilespmem:s9], [sflag:$0x2] =	stream.linear.gather [hbm4b:s10+s2], $0x10000, $0x38;
	[tilespmem:$0x10080] =	vst v63  }
0x1f: {  	_ =	swait.ge [sflag:s8], $0x10000  }
0x20: {  	[sflag:s8] =	ssyncset.done $0x0  }
0x21: {  	[sflag:s8] =	ssyncadd.s32 $0xFFFF0000  }
0x22: {  	v3 =	vld [tilespmem:$0x0];
	_ =	sdelay $0x4  }
0x23: {  	v4 =	vshll.u32 v3, $0x3  }
0x24: {  	v3 =	vand.u32 $0x7, v3;
	v4 =	vand.u32 $0xFFFFFFC0, v4  }
0x25: {  	v3 =	vor.u32 v3, v4  }
0x26: {  	v4 =	vperm.xlane v3, v0;
	_ =	sdelay $0x1  }
0x27: {  	v4 =	vadd.s32 v1, v4;
	_ =	sdelay $0x4  }
0x28: {  	[hbm4b:s3+s2] =	stream.indirect_vreg.scatter [tilespmem:s9], [sflag:$0x1], $0x80, v4, vm0, $0xb8;
	[tilespmem:$0x10080] =	vst v63  }
0x29: {  	s0 =	rddreg [dreg:$0x5];
	v3 =	vperm.xlane v3, v2  }
0x2a: {  	[hbm4b:s4+s2] =	stream.indirect_vreg.scatter [tilespmem:s0], [sflag:$0x1], $0x80, v4, vm0, $0xb8;
	[tilespmem:$0x10080] =	vst v63  }
0x2b: {  	s10 =	rddreg [dreg:$0x6];
	v3 =	vadd.s32 v1, v3  }
0x2c: {  	[hbm4b:s5+s2] =	stream.indirect_vreg.scatter [tilespmem:s10], [sflag:$0x1], $0x80, v4, vm0, $0xb8;
	[tilespmem:$0x10080] =	vst v63  }
0x2d: {  	s0 =	rddreg [dreg:$0x7]  }
0x2e: {  	[hbm4b:s6+s2] =	stream.indirect_vreg.scatter [tilespmem:s0], [sflag:$0x1], $0x80, v4, vm0, $0xb8;
	[tilespmem:$0x10080] =	vst v63  }
0x2f: {  	s10 =	rddreg [dreg:$0x8]  }
0x30: {  	[hbm4b:s3+s2] =	stream.indirect_vreg.scatter [tilespmem:s10], [sflag:$0x1], $0x80, v3, vm0, $0xb8;
	[tilespmem:$0x10080] =	vst v63  }
0x31: {  	s0 =	rddreg [dreg:$0x9]  }
0x32: {  	[hbm4b:s4+s2] =	stream.indirect_vreg.scatter [tilespmem:s0], [sflag:$0x1], $0x80, v3, vm0, $0xb8;
	[tilespmem:$0x10080] =	vst v63  }
0x33: {  	s10 =	rddreg [dreg:$0xa]  }
0x34: {  	[hbm4b:s5+s2] =	stream.indirect_vreg.scatter [tilespmem:s10], [sflag:$0x1], $0x80, v3, vm0, $0xb8;
	[tilespmem:$0x10080] =	vst v63  }
0x35: {  	s0 =	rddreg [dreg:$0xb]  }
0x36: {  	[hbm4b:s6+s2] =	stream.indirect_vreg.scatter [tilespmem:s0], [sflag:$0x1], $0x80, v3, vm0, $0xb8;
	[tilespmem:$0x10080] =	vst v63  }
0x37: {  	v3 =	vld [tilespmem:$0x10];
	_ =	sdelay $0x4  }
0x38: {  	v61 =	vshll.u32 v3, $0x3  }
0x39: {  	v3 =	vand.u32 $0x7, v3;
	v4 =	vand.u32 $0xFFFFFFC0, v61  }
0x3a: {  	v3 =	vor.u32 v3, v4  }
0x3b: {  	v4 =	vperm.xlane v3, v0;
	_ =	sdelay $0x1  }
0x3c: {  	v4 =	vadd.s32 v1, v4;
	_ =	sdelay $0x3  }
0x3d: {  	s0 =	rddreg [dreg:$0xc]  }
0x3e: {  	[hbm4b:s3+s2] =	stream.indirect_vreg.scatter [tilespmem:s0], [sflag:$0x1], $0x80, v4, vm0, $0xb8;
	[tilespmem:$0x10080] =	vst v63  }
0x3f: {  	s10 =	rddreg [dreg:$0xd];
	v3 =	vperm.xlane v3, v2  }
0x40: {  	[hbm4b:s4+s2] =	stream.indirect_vreg.scatter [tilespmem:s10], [sflag:$0x1], $0x80, v4, vm0, $0xb8;
	[tilespmem:$0x10080] =	vst v63  }
0x41: {  	v3 =	vadd.s32 v1, v3;
	s0 =	rddreg [dreg:$0xe]  }
0x42: {  	[hbm4b:s5+s2] =	stream.indirect_vreg.scatter [tilespmem:s0], [sflag:$0x1], $0x80, v4, vm0, $0xb8;
	[tilespmem:$0x10080] =	vst v63  }
0x43: {  	s10 =	simm.s32 $0x5880  }
0x44: {  	[hbm4b:s6+s2] =	stream.indirect_vreg.scatter [tilespmem:s10], [sflag:$0x1], $0x80, v4, vm0, $0xb8;
	[tilespmem:$0x10080] =	vst v63  }
0x45: {  	_ = 	snop  }
0x46: {  	[hbm4b:s3+s2] =	stream.indirect_vreg.scatter [tilespmem:s11], [sflag:$0x1], $0x80, v3, vm0, $0xb8;
	[tilespmem:$0x10080] =	vst v63  }
0x47: {  	_ = 	snop  }
0x48: {  	[hbm4b:s4+s2] =	stream.indirect_vreg.scatter [tilespmem:s12], [sflag:$0x1], $0x80, v3, vm0, $0xb8;
	[tilespmem:$0x10080] =	vst v63  }
0x49: {  	_ = 	snop  }
0x4a: {  	[hbm4b:s5+s2] =	stream.indirect_vreg.scatter [tilespmem:s13], [sflag:$0x1], $0x80, v3, vm0, $0xb8;
	[tilespmem:$0x10080] =	vst v63  }
0x4b: {  	_ = 	snop  }
0x4c: {  	[hbm4b:s6+s2] =	stream.indirect_vreg.scatter [tilespmem:s14], [sflag:$0x1], $0x80, v3, vm0, $0xb8;
	[tilespmem:$0x10080] =	vst v63  }
0x4d: {  	v3 =	vld [tilespmem:$0x20];
	_ =	sdelay $0x4  }
0x4e: {  	v62 =	vshll.u32 v3, $0x3  }
0x4f: {  	v3 =	vand.u32 $0x7, v3;
	v4 =	vand.u32 $0xFFFFFFC0, v62  }
0x50: {  	v3 =	vor.u32 v3, v4  }
0x51: {  	v4 =	vperm.xlane v3, v0;
	_ =	sdelay $0x1  }
0x52: {  	v4 =	vadd.s32 v1, v4;
	_ =	sdelay $0x4  }
0x53: {  	[hbm4b:s3+s2] =	stream.indirect_vreg.scatter [tilespmem:s15], [sflag:$0x1], $0x80, v4, vm0, $0xb8;
	[tilespmem:$0x10080] =	vst v63  }
0x54: {  	v3 =	vperm.xlane v3, v2  }
0x55: {  	[hbm4b:s4+s2] =	stream.indirect_vreg.scatter [tilespmem:s16], [sflag:$0x1], $0x80, v4, vm0, $0xb8;
	[tilespmem:$0x10080] =	vst v63  }
0x56: {  	v3 =	vadd.s32 v1, v3  }
0x57: {  	[hbm4b:s5+s2] =	stream.indirect_vreg.scatter [tilespmem:s17], [sflag:$0x1], $0x80, v4, vm0, $0xb8;
	[tilespmem:$0x10080] =	vst v63  }
0x58: {  	_ = 	snop  }
0x59: {  	[hbm4b:s6+s2] =	stream.indirect_vreg.scatter [tilespmem:s18], [sflag:$0x1], $0x80, v4, vm0, $0xb8;
	[tilespmem:$0x10080] =	vst v63  }
0x5a: {  	_ = 	snop  }
0x5b: {  	[hbm4b:s3+s2] =	stream.indirect_vreg.scatter [tilespmem:s19], [sflag:$0x1], $0x80, v3, vm0, $0xb8;
	[tilespmem:$0x10080] =	vst v63  }
0x5c: {  	_ = 	snop  }
0x5d: {  	[hbm4b:s4+s2] =	stream.indirect_vreg.scatter [tilespmem:s20], [sflag:$0x1], $0x80, v3, vm0, $0xb8;
	[tilespmem:$0x10080] =	vst v63  }
0x5e: {  	_ = 	snop  }
0x5f: {  	[hbm4b:s5+s2] =	stream.indirect_vreg.scatter [tilespmem:s21], [sflag:$0x1], $0x80, v3, vm0, $0xb8;
	[tilespmem:$0x10080] =	vst v63  }
0x60: {  	_ = 	snop  }
0x61: {  	[hbm4b:s6+s2] =	stream.indirect_vreg.scatter [tilespmem:s22], [sflag:$0x1], $0x80, v3, vm0, $0xb8;
	[tilespmem:$0x10080] =	vst v63  }
0x62: {  	v3 =	vld [tilespmem:$0x30];
	_ =	sdelay $0x4  }
0x63: {  	v63 =	vshll.u32 v3, $0x3  }
0x64: {  	v3 =	vand.u32 $0x7, v3;
	v4 =	vand.u32 $0xFFFFFFC0, v63  }
0x65: {  	v3 =	vor.u32 v3, v4  }
0x66: {  	v4 =	vperm.xlane v3, v0;
	_ =	sdelay $0x1  }
0x67: {  	v4 =	vadd.s32 v1, v4;
	_ =	sdelay $0x4  }
0x68: {  	[hbm4b:s3+s2] =	stream.indirect_vreg.scatter [tilespmem:s23], [sflag:$0x1], $0x80, v4, vm0, $0xb8;
	[tilespmem:$0x10080] =	vst v63  }
0x69: {  	v3 =	vperm.xlane v3, v2  }
0x6a: {  	[hbm4b:s4+s2] =	stream.indirect_vreg.scatter [tilespmem:s24], [sflag:$0x1], $0x80, v4, vm0, $0xb8;
	[tilespmem:$0x10080] =	vst v63  }
0x6b: {  	v3 =	vadd.s32 v1, v3  }
0x6c: {  	[hbm4b:s5+s2] =	stream.indirect_vreg.scatter [tilespmem:s25], [sflag:$0x1], $0x80, v4, vm0, $0xb8;
	[tilespmem:$0x10080] =	vst v63  }
0x6d: {  	_ = 	snop  }
0x6e: {  	[hbm4b:s6+s2] =	stream.indirect_vreg.scatter [tilespmem:s26], [sflag:$0x1], $0x80, v4, vm0, $0xb8;
	[tilespmem:$0x10080] =	vst v63  }
0x6f: {  	_ = 	snop  }
0x70: {  	[hbm4b:s3+s2] =	stream.indirect_vreg.scatter [tilespmem:s28], [sflag:$0x1], $0x80, v3, vm0, $0xb8;
	[tilespmem:$0x10080] =	vst v63  }
0x71: {  	_ = 	snop  }
0x72: {  	[hbm4b:s4+s2] =	stream.indirect_vreg.scatter [tilespmem:s29], [sflag:$0x1], $0x80, v3, vm0, $0xb8;
	[tilespmem:$0x10080] =	vst v63  }
0x73: {  	p0 =	sne.s32 s7, $0x1  }
0x74: {  	[hbm4b:s5+s2] =	stream.indirect_vreg.scatter [tilespmem:s30], [sflag:$0x1], $0x80, v3, vm0, $0xb8;
	[tilespmem:$0x10080] =	vst v63  }
.Ltmp0:
0x75: {  	_ = 	snop;
	(pc) =	sbr.rel @p0 .LBB2_1-.Ltmp0, $4  }
0x76: {  	[hbm4b:s6+s2] =	stream.indirect_vreg.scatter [tilespmem:s31], [sflag:$0x1], $0x80, v3, vm0, $0xb8;
	[tilespmem:$0x10080] =	vst v63  }
0x77: {  	_ =	swait.ge [sflag:s1], $0x10000  }
0x78: {  	[sflag:s1] =	ssyncset.done $0x0  }
0x79: {  	s7 =	sadd.s32 $0xFFFFFFFF, s7;
	[sflag:s1] =	ssyncadd.s32 $0xFFFF0000  }
0x7a: {  	_ =	sfence.sel $0x180000  }
0x7b: {  	[bflag:$0x0] =	sbarrier.arrive $0xFFFF  }
0x7c: {  	_ =	strace $0x90000047  }
0x7d: {  	s0 =	stileid.u32;
	[bflag:$0x2] =	sbarrier.arrive $0xFFFF  }
0x7e: {  	p0 =	sne.s32 s0, $0x0;
	s0 =	rddreg [dreg:$0x2]  }
0x7f: {  	s0 =	sadd.s32 @!p0 $0x100000, s0  }
0x80: {  	[sflag:s0] =	ssyncadd.tile.s32 @!p0 $0x1;
	_ =	shalt  }
.Lfunc_end2:
_tile_overlayer_lowered:
.L_overlay_start_2:
0x81: {  	(tag) =	ssettag $0x2  }
0x82: {  	s0 =	rddreg [dreg:$0x0];
	s2 =	stileid.u32  }
0x83: {  	s1 =	rddreg [dreg:$0x1];
	p0 =	sne.s32 s2, $0x0  }
0x84: {  	s3 =	rddreg [dreg:$0x2];
	[bflag:$0x3] =	sbarrier.arrive $0xFFFF;
	s2 =	simm.s32 @!p0 $0x1C02  }
0x85: {  	[timem:s3], [sflag:s2] =	dma.local @!p0 [hbm:s0], s1  }
0x86: {  	s0 =	simm.s32 @!p0 $0x2  }
0x87: {  	_ =	swait.ge @!p0 [sflag:s0], s1  }
0x88: {  	s1 =	ssub.s32 @!p0 $0x0, s1;
	[sflag:s0] =	ssyncset.done @!p0 $0x0  }
0x89: {  	[sflag:s0] =	ssyncadd.s32 @!p0 s1  }
0x8a: {  	[bflag:$0x3] =	sbarrier.arrive $0xFFFF  }
0x8b: {  	_ =	shalt  }

</sc_bundles>
